<compile_context>
chip_gen: v7x
topology: tpu7x:2x2x1
jax: 0.10.2.dev20260603
libtpu: 0.0.44.dev20260713+nightly
codegen_flags: <defaults>
</compile_context>

<pallas_src>
import functools

import jax
import jax.numpy as jnp
from jax import lax
from jax.experimental import pallas as pl
from jax.experimental.pallas import tpu as pltpu
from jax.experimental.pallas import tpu_sc as plsc

E_BLOCK = 8000
N_BLOCK = 2000
TD = 48
GCH = 1000
N_WORKERS = 32


def _silu(v):
    return v * (0.5 * jnp.tanh(0.5 * v) + 0.5)


def _make_gather(E):
    per_w = E // N_WORKERS
    nch = per_w // GCH
    mesh = plsc.VectorSubcoreMesh(core_axis_name="c", subcore_axis_name="s")

    @functools.partial(
        pl.kernel,
        out_type=jax.ShapeDtypeStruct((E, 128), jnp.float32),
        mesh=mesh,
        scratch_types=[
            pltpu.VMEM((GCH,), jnp.int32),
            pltpu.VMEM((GCH,), jnp.int32),
            pltpu.VMEM((GCH, TD), jnp.float32),
            pltpu.VMEM((GCH, TD), jnp.float32),
            pltpu.VMEM((GCH, 16), jnp.float32),
            pltpu.SemaphoreType.DMA,
            pltpu.SemaphoreType.DMA,
            pltpu.SemaphoreType.DMA,
        ],
        compiler_params=pltpu.CompilerParams(use_tc_tiling_on_sc=False),
    )
    def gather_k(t_hbm, row_hbm, col_hbm, ea_hbm, out_hbm,
                 idxr_v, idxc_v, bufr_v, bufc_v, bufe_v, semr, semc, seme):
        wid = lax.axis_index("s") * 2 + lax.axis_index("c")
        base = wid * per_w

        def body(i, carry):
            off = base + i * GCH
            pltpu.sync_copy(row_hbm.at[pl.ds(off, GCH)], idxr_v)
            pltpu.sync_copy(col_hbm.at[pl.ds(off, GCH)], idxc_v)
            ce = pltpu.async_copy(ea_hbm.at[pl.ds(off, GCH)], bufe_v, seme)
            cr = pltpu.async_copy(t_hbm.at[idxr_v], bufr_v, semr)
            cc = pltpu.async_copy(t_hbm.at[idxc_v], bufc_v, semc)
            cr.wait()
            pltpu.sync_copy(bufr_v, out_hbm.at[pl.ds(off, GCH), pl.ds(0, TD)])
            cc.wait()
            pltpu.sync_copy(bufc_v, out_hbm.at[pl.ds(off, GCH), pl.ds(TD, TD)])
            ce.wait()
            pltpu.sync_copy(bufe_v, out_hbm.at[pl.ds(off, GCH), pl.ds(2 * TD, 16)])
            return carry

        lax.fori_loop(0, nch, body, 0)

    return gather_k


SCH = 1000


def _make_scatter(E, N):
    per_tile = E // 16
    nch1 = per_tile // SCH
    per_tile2 = E // 32
    nch2 = per_tile2 // SCH
    stripe = N // 16
    mesh = plsc.VectorSubcoreMesh(core_axis_name="c", subcore_axis_name="s")

    @functools.partial(
        pl.kernel,
        out_type=[
            jax.ShapeDtypeStruct((2, N, 16), jnp.float32),
            jax.ShapeDtypeStruct((2, N, 16), jnp.float32),
        ],
        mesh=mesh,
        scratch_types=[
            pltpu.VMEM((SCH,), jnp.int32),
            pltpu.VMEM((SCH, 16), jnp.float32),
            pltpu.VMEM_SHARED((N, 16), jnp.float32),
        ],
        compiler_params=pltpu.CompilerParams(use_tc_tiling_on_sc=False),
    )
    def scatter_k(msgs_hbm, col_hbm, zs_hbm, outs_hbm, outv_hbm,
                  idx_v, buf_v, acc_sh):
        cid = lax.axis_index("c")
        tid = lax.axis_index("s")
        zslice = pl.ds(tid * stripe, stripe)

        def run_phase(base, nch, lane0, out_hbm):
            pltpu.sync_copy(zs_hbm.at[zslice], acc_sh.at[zslice])
            plsc.subcore_barrier()

            def body(i, carry):
                off = base + i * SCH
                pltpu.sync_copy(col_hbm.at[pl.ds(off, SCH)], idx_v)
                pltpu.sync_copy(
                    msgs_hbm.at[pl.ds(off, SCH), pl.ds(lane0, 16)], buf_v)
                pltpu.sync_copy(buf_v, acc_sh.at[idx_v], add=True)
                return carry

            lax.fori_loop(0, nch, body, 0)
            plsc.subcore_barrier()
            pltpu.sync_copy(acc_sh.at[zslice], out_hbm.at[cid, zslice])
            plsc.subcore_barrier()

        run_phase(tid * per_tile, nch1, cid * 16, outs_hbm)
        run_phase(cid * (E // 2) + tid * per_tile2, nch2, 32, outv_hbm)

    return scatter_k


def _edge_body(in_ref, xmask_ref,
               w0_ref, b0_ref, w1_ref, b1_ref, w2_ref, b2_ref,
               vw0_ref, vb0_ref, vw1_ref, vb1_ref, vw2_ref, vb2_ref,
               sw0_ref, sb0_ref, sw1_ref, sb1_ref, sw2_ref, sb2_ref,
               out_ref):
    mm = lambda a, w: a @ w
    g = in_ref[...]
    xm = xmask_ref[...]
    n2 = jnp.sum(g * g * xm, axis=1, keepdims=True)
    inv = lax.rsqrt(jnp.maximum(n2, 1e-24))
    scale = xm * inv + (1.0 - xm)
    pre = mm(g * scale, w0_ref[...]) + b0_ref[...]
    l1 = _silu(pre)
    l2 = _silu(mm(l1, w1_ref[...]) + b1_ref[...])
    msg = mm(l2, w2_ref[...]) + b2_ref[...]
    v = _silu(mm(msg, vw0_ref[...]) + vb0_ref[...])
    v = _silu(mm(v, vw1_ref[...]) + vb1_ref[...])
    vm = mm(v, vw2_ref[...]) + vb2_ref[...]
    s = _silu(mm(msg, sw0_ref[...]) + sb0_ref[...])
    s = _silu(mm(s, sw1_ref[...]) + sb1_ref[...])
    sm = mm(s, sw2_ref[...]) + sb2_ref[...]
    pad = jnp.zeros((sm.shape[0], 13), sm.dtype)
    out_ref[...] = jnp.concatenate([sm, vm, pad], axis=1)


def _node_body(agg_ref, h_ref, vs_ref, x_ref,
               w0_ref, b0_ref, w1_ref, b1_ref, w2_ref, b2_ref,
               vec_ref, na_ref):
    a = _silu(agg_ref[...] @ w0_ref[...] + b0_ref[...])
    a = _silu(a @ w1_ref[...] + b1_ref[...])
    na_ref[...] = (a @ w2_ref[...] + b2_ref[...]) + h_ref[...]
    vec_ref[...] = x_ref[...] + vs_ref[...]


def _full(shape):
    return pl.BlockSpec(shape, lambda i: (0,) * len(shape))


def kernel(edge_index, edge_attr, x, h,
           msg_W0, msg_b0, msg_W1, msg_b1, msg_W2, msg_b2,
           vec_W0, vec_b0, vec_W1, vec_b1, vec_W2, vec_b2,
           sca_W0, sca_b0, sca_W1, sca_b1, sca_W2, sca_b2,
           nod_W0, nod_b0, nod_W1, nod_b1, nod_W2, nod_b2):
    E = edge_index.shape[1]
    N = x.shape[0]
    row = edge_index[0]
    col = edge_index[1]

    T = jnp.concatenate(
        [x, jnp.zeros((N, 5), jnp.float32), h, jnp.zeros((N, 8), jnp.float32)],
        axis=1)

    packed = _make_gather(E)(T, row, col, edge_attr)

    z = jnp.zeros((5, 64), jnp.float32)
    z8 = jnp.zeros((8, 64), jnp.float32)
    w0p = jnp.concatenate([
        msg_W0[0:3], z, msg_W0[6:38], z8,
        msg_W0[3:6], z, msg_W0[38:70], z8,
        msg_W0[70:86], jnp.zeros((16, 64), jnp.float32),
    ], axis=0)
    xmask = jnp.zeros((1, 128), jnp.float32)
    xmask = xmask.at[0, 0:3].set(1.0).at[0, 48:51].set(1.0)
    b2 = lambda b: b.reshape(1, -1)
    bfw = lambda w: w

    grid_e = E // E_BLOCK
    msgs = pl.pallas_call(
        _edge_body,
        grid=(grid_e,),
        in_specs=[
            pl.BlockSpec((E_BLOCK, 128), lambda i: (i, 0)),
            _full((1, 128)),
            _full((128, 64)), _full((1, 64)),
            _full(msg_W1.shape), _full((1, 64)), _full(msg_W2.shape), _full((1, 64)),
            _full(vec_W0.shape), _full((1, 64)), _full(vec_W1.shape), _full((1, 64)),
            _full(vec_W2.shape), _full((1, 3)),
            _full(sca_W0.shape), _full((1, 64)), _full(sca_W1.shape), _full((1, 64)),
            _full(sca_W2.shape), _full((1, 32)),
        ],
        out_specs=pl.BlockSpec((E_BLOCK, 48), lambda i: (i, 0)),
        out_shape=jax.ShapeDtypeStruct((E, 48), jnp.float32),
        compiler_params=pltpu.CompilerParams(
            dimension_semantics=("arbitrary",),
        ),
    )(packed, xmask,
      bfw(w0p), b2(msg_b0), bfw(msg_W1), b2(msg_b1), bfw(msg_W2), b2(msg_b2),
      bfw(vec_W0), b2(vec_b0), bfw(vec_W1), b2(vec_b1), bfw(vec_W2), b2(vec_b2),
      bfw(sca_W0), b2(sca_b0), bfw(sca_W1), b2(sca_b1), bfw(sca_W2), b2(sca_b2))

    zs = jnp.zeros((N, 16), jnp.float32)
    parts_s, parts_v = _make_scatter(E, N)(msgs, col, zs)
    agg = jnp.concatenate([parts_s[0], parts_s[1]], axis=1)
    vecsum = (parts_v[0] + parts_v[1])[:, 0:3]

    grid_n = N // N_BLOCK
    vector, node_attr = pl.pallas_call(
        _node_body,
        grid=(grid_n,),
        in_specs=[
            pl.BlockSpec((N_BLOCK, 32), lambda i: (i, 0)),
            pl.BlockSpec((N_BLOCK, 32), lambda i: (i, 0)),
            pl.BlockSpec((N_BLOCK, 3), lambda i: (i, 0)),
            pl.BlockSpec((N_BLOCK, 3), lambda i: (i, 0)),
            _full(nod_W0.shape), _full((1, 64)), _full(nod_W1.shape), _full((1, 64)),
            _full(nod_W2.shape), _full((1, 32)),
        ],
        out_specs=[
            pl.BlockSpec((N_BLOCK, 3), lambda i: (i, 0)),
            pl.BlockSpec((N_BLOCK, 32), lambda i: (i, 0)),
        ],
        out_shape=[
            jax.ShapeDtypeStruct((N, 3), jnp.float32),
            jax.ShapeDtypeStruct((N, 32), jnp.float32),
        ],
        compiler_params=pltpu.CompilerParams(
            dimension_semantics=("arbitrary",),
        ),
    )(agg, h, vecsum, x,
      nod_W0, b2(nod_b0), nod_W1, b2(nod_b1), nod_W2, b2(nod_b2))

    return vector, node_attr

# --- scband reference (transcript-rebuilt; emitter-appended) ---
"""Pipeline reference for scband-gnn-layer-51453708206082 (READ-ONLY COPY).

The authoritative reference and input builder live on the scoring server;
editing this copy changes nothing except your own understanding.
"""

import jax, jax.numpy as jnp
import numpy as np

N = 100000
E = 1600000
NODE_DIM, EDGE_DIM, VEC_DIM, HID, MSG_DIM, SCA_DIM = 32, 16, 3, 64, 64, 32


def _silu(v):
    return v * jax.nn.sigmoid(v)


def _mlp3(v, W0, b0, W1, b1, W2, b2):
    # MLP([d_in, HID, HID, d_out]) with SiLU between hidden layers, dropout is identity in eval
    v = _silu(v @ W0 + b0)
    v = _silu(v @ W1 + b1)
    return v @ W2 + b2


def _lin(k, fin, fout):
    return jax.random.normal(k, (fin, fout), dtype=jnp.float32) * (1.0 / np.sqrt(fin))


def setup_inputs(seed: int = 0) -> dict:
    key = jax.random.key(seed)
    ks = jax.random.split(key, 40)
    inp = {}
    inp["edge_index"] = jax.random.randint(ks[0], (2, E), 0, N)
    inp["edge_attr"] = jax.random.normal(ks[1], (E, EDGE_DIM), dtype=jnp.float32)
    inp["x"] = jax.random.normal(ks[2], (N, VEC_DIM), dtype=jnp.float32)
    inp["h"] = jax.random.normal(ks[3], (N, NODE_DIM), dtype=jnp.float32)
    scalars_dim = NODE_DIM * 2 + EDGE_DIM  # 80
    msg_in = VEC_DIM * 2 + scalars_dim     # 86
    # messageNN.mlp: [86, 64, 64, 64]
    inp["msg_W0"] = _lin(ks[4], msg_in, HID); inp["msg_b0"] = jnp.zeros((HID,), jnp.float32)
    inp["msg_W1"] = _lin(ks[5], HID, HID);    inp["msg_b1"] = jnp.zeros((HID,), jnp.float32)
    inp["msg_W2"] = _lin(ks[6], HID, MSG_DIM); inp["msg_b2"] = jnp.zeros((MSG_DIM,), jnp.float32)
    # vectorNN: [64, 64, 64, 3]
    inp["vec_W0"] = _lin(ks[7], MSG_DIM, HID); inp["vec_b0"] = jnp.zeros((HID,), jnp.float32)
    inp["vec_W1"] = _lin(ks[8], HID, HID);     inp["vec_b1"] = jnp.zeros((HID,), jnp.float32)
    inp["vec_W2"] = _lin(ks[9], HID, VEC_DIM); inp["vec_b2"] = jnp.zeros((VEC_DIM,), jnp.float32)
    # scalarNN: [64, 64, 64, 32]
    inp["sca_W0"] = _lin(ks[10], MSG_DIM, HID); inp["sca_b0"] = jnp.zeros((HID,), jnp.float32)
    inp["sca_W1"] = _lin(ks[11], HID, HID);     inp["sca_b1"] = jnp.zeros((HID,), jnp.float32)
    inp["sca_W2"] = _lin(ks[12], HID, SCA_DIM); inp["sca_b2"] = jnp.zeros((SCA_DIM,), jnp.float32)
    # nodeNN: [32, 64, 64, 32]
    inp["nod_W0"] = _lin(ks[13], SCA_DIM, HID); inp["nod_b0"] = jnp.zeros((HID,), jnp.float32)
    inp["nod_W1"] = _lin(ks[14], HID, HID);     inp["nod_b1"] = jnp.zeros((HID,), jnp.float32)
    inp["nod_W2"] = _lin(ks[15], HID, NODE_DIM); inp["nod_b2"] = jnp.zeros((NODE_DIM,), jnp.float32)
    return inp


def reference(edge_index, edge_attr, x, h,
              msg_W0, msg_b0, msg_W1, msg_b1, msg_W2, msg_b2,
              vec_W0, vec_b0, vec_W1, vec_b1, vec_W2, vec_b2,
              sca_W0, sca_b0, sca_W1, sca_b1, sca_W2, sca_b2,
              nod_W0, nod_b0, nod_W1, nod_b1, nod_W2, nod_b2):
    row = edge_index[0]
    col = edge_index[1]
    xij = jnp.concatenate([x[row], x[col]], axis=-1)          # (E, 2*vec)
    hij = jnp.concatenate([h[row], h[col], edge_attr], axis=-1)  # (E, 2*node + edge)
    # messageNN: F.normalize(xij) then MLP(cat([xij, hij]))
    nrm = jnp.sqrt(jnp.sum(xij * xij, axis=-1, keepdims=True))
    xn = xij / jnp.maximum(nrm, 1e-12)
    message = _mlp3(jnp.concatenate([xn, hij], axis=-1),
                    msg_W0, msg_b0, msg_W1, msg_b1, msg_W2, msg_b2)  # (E, msg)
    vec_msg = _mlp3(message, vec_W0, vec_b0, vec_W1, vec_b1, vec_W2, vec_b2)  # (E, vec)
    vector = x + jax.ops.segment_sum(vec_msg, col, num_segments=x.shape[0])
    sca_msg = _mlp3(message, sca_W0, sca_b0, sca_W1, sca_b1, sca_W2, sca_b2)  # (E, sca)
    agg = jax.ops.segment_sum(sca_msg, col, num_segments=h.shape[0])          # (N, sca)
    node_attr = _mlp3(agg, nod_W0, nod_b0, nod_W1, nod_b1, nod_W2, nod_b2) + h
    return vector, node_attr

if __name__ == "__main__":
    import jax
    _d = setup_inputs()
    print(jax.jit(kernel)(*tuple(_d.values())))

</pallas_src>

<mosaic_0001>
#map = affine_map<(d0, d1) -> (0, 0)>
#map1 = affine_map<(d0, d1) -> (0)>
module attributes {stable_mosaic.version = 14 : i64} {
  func.func @gather_k(%arg0: i32, %arg1: i32, %arg2: memref<100000x48xf32, #tpu.memory_space<hbm>>, %arg3: memref<1600000xi32, #tpu.memory_space<hbm>>, %arg4: memref<1600000xi32, #tpu.memory_space<hbm>>, %arg5: memref<1600000x16xf32, #tpu.memory_space<hbm>>, %arg6: memref<1600000x128xf32, #tpu.memory_space<hbm>>, %arg7: memref<1000xi32, #tpu.memory_space<vmem>>, %arg8: memref<1000xi32, #tpu.memory_space<vmem>>, %arg9: memref<1000x48xf32, #tpu.memory_space<vmem>>, %arg10: memref<1000x48xf32, #tpu.memory_space<vmem>>, %arg11: memref<1000x16xf32, #tpu.memory_space<vmem>>, %arg12: memref<!tpu.dma_semaphore, #tpu.memory_space<semaphore_mem>>, %arg13: memref<!tpu.dma_semaphore, #tpu.memory_space<semaphore_mem>>, %arg14: memref<!tpu.dma_semaphore, #tpu.memory_space<semaphore_mem>>) attributes {dimension_semantics = [#tpu.dimension_semantics<core_parallel>, #tpu.dimension_semantics<subcore_parallel>], iteration_bounds = array<i64: 2, 16>, scalar_prefetch = 0 : i64, scratch_operands = 8 : i64, tpu.core_type = #tpu.core_type<sc_vector_subcore>, window_params = [{transform_indices = #map}, {transform_indices = #map1}, {transform_indices = #map1}, {transform_indices = #map}, {transform_indices = #map}]} {
    %mul3A = arith.constant 2 : i32
    %mul3A_0 = arith.muli %arg1, %mul3A : i32
    %add3A = arith.addi %mul3A_0, %arg0 : i32
    %mul3A_1 = arith.constant 50000 : i32
    %mul3A_2 = arith.muli %add3A, %mul3A_1 : i32
    %scan3A = arith.constant 0 : i32
    %scan3A_3 = arith.constant 0 : i32
    %scan3A_4 = arith.constant 50 : i32
    %scan3A_5 = arith.addi %scan3A_3, %scan3A_4 : i32
    %scan3A_6 = arith.constant 1 : i32
    scf.for %scan3A_8 = %scan3A_3 to %scan3A_5 step %scan3A_6  : i32 {
      %mul3A_9 = arith.constant 1000 : i32
      %mul3A_10 = arith.muli %scan3A_8, %mul3A_9 : i32
      %add3A_11 = arith.addi %mul3A_2, %mul3A_10 : i32
      "tpu.region"() ({
        %run_scoped3A = tpu.sem_alloc : memref<!tpu.dma_semaphore, #tpu.memory_space<semaphore_mem>>
        %dma_start3A_30 = tpu.memref_slice %arg3[%add3A_11] : memref<1600000xi32, #tpu.memory_space<hbm>> -> memref<1000xi32, #tpu.memory_space<hbm>>
        %dma_start3A_31 = tpu.memref_slice %arg3[%add3A_11] : memref<1600000xi32, #tpu.memory_space<hbm>> -> memref<1000xi32, #tpu.memory_space<hbm>>
        tpu.enqueue_dma source(%dma_start3A_31 : memref<1000xi32, #tpu.memory_space<hbm>>) target(%arg7 : memref<1000xi32, #tpu.memory_space<vmem>>) target_semaphore(%run_scoped3A : memref<!tpu.dma_semaphore, #tpu.memory_space<semaphore_mem>>)
        %dma_wait3A_32 = tpu.memref_slice %arg3[%add3A_11] : memref<1600000xi32, #tpu.memory_space<hbm>> -> memref<1000xi32, #tpu.memory_space<hbm>>
        %dma_wait3A_33 = tpu.memref_slice %arg3[%add3A_11] : memref<1600000xi32, #tpu.memory_space<hbm>> -> memref<1000xi32, #tpu.memory_space<hbm>>
        tpu.wait_dma2 semaphore(%run_scoped3A : memref<!tpu.dma_semaphore, #tpu.memory_space<semaphore_mem>>) src(%dma_wait3A_33 : memref<1000xi32, #tpu.memory_space<hbm>>) dst(%arg7 : memref<1000xi32, #tpu.memory_space<vmem>>)
        tpu.yield
      }) : () -> ()
      "tpu.region"() ({
        %run_scoped3A = tpu.sem_alloc : memref<!tpu.dma_semaphore, #tpu.memory_space<semaphore_mem>>
        %dma_start3A_30 = tpu.memref_slice %arg4[%add3A_11] : memref<1600000xi32, #tpu.memory_space<hbm>> -> memref<1000xi32, #tpu.memory_space<hbm>>
        %dma_start3A_31 = tpu.memref_slice %arg4[%add3A_11] : memref<1600000xi32, #tpu.memory_space<hbm>> -> memref<1000xi32, #tpu.memory_space<hbm>>
        tpu.enqueue_dma source(%dma_start3A_31 : memref<1000xi32, #tpu.memory_space<hbm>>) target(%arg8 : memref<1000xi32, #tpu.memory_space<vmem>>) target_semaphore(%run_scoped3A : memref<!tpu.dma_semaphore, #tpu.memory_space<semaphore_mem>>)
        %dma_wait3A_32 = tpu.memref_slice %arg4[%add3A_11] : memref<1600000xi32, #tpu.memory_space<hbm>> -> memref<1000xi32, #tpu.memory_space<hbm>>
        %dma_wait3A_33 = tpu.memref_slice %arg4[%add3A_11] : memref<1600000xi32, #tpu.memory_space<hbm>> -> memref<1000xi32, #tpu.memory_space<hbm>>
        tpu.wait_dma2 semaphore(%run_scoped3A : memref<!tpu.dma_semaphore, #tpu.memory_space<semaphore_mem>>) src(%dma_wait3A_33 : memref<1000xi32, #tpu.memory_space<hbm>>) dst(%arg8 : memref<1000xi32, #tpu.memory_space<vmem>>)
        tpu.yield
      }) : () -> ()
      %dma_start3A = arith.constant 0 : i32
      %dma_start3A_12 = tpu.memref_slice %arg5[%add3A_11, %dma_start3A] : memref<1600000x16xf32, #tpu.memory_space<hbm>> -> memref<1000x16xf32, #tpu.memory_space<hbm>>
      %dma_start3A_13 = arith.constant 0 : i32
      %dma_start3A_14 = tpu.memref_slice %arg5[%add3A_11, %dma_start3A_13] : memref<1600000x16xf32, #tpu.memory_space<hbm>> -> memref<1000x16xf32, #tpu.memory_space<hbm>>
      tpu.enqueue_dma source(%dma_start3A_14 : memref<1000x16xf32, #tpu.memory_space<hbm>>) target(%arg11 : memref<1000x16xf32, #tpu.memory_space<vmem>>) target_semaphore(%arg14 : memref<!tpu.dma_semaphore, #tpu.memory_space<semaphore_mem>>)
      %dma_start3A_15 = arith.constant 0 : i32
      %dma_start3A_16 = arith.constant 0 : i32
      %dma_start3A_17 = tpu.memref_slice %arg2[%dma_start3A_15, %dma_start3A_16] : memref<100000x48xf32, #tpu.memory_space<hbm>> -> memref<100000x48xf32, #tpu.memory_space<hbm>>
      tpu.enqueue_indirect_dma source(%dma_start3A_17 : memref<100000x48xf32, #tpu.memory_space<hbm>>) target(%arg9 : memref<1000x48xf32, #tpu.memory_space<vmem>>) offsets(%arg7 : memref<1000xi32, #tpu.memory_space<vmem>>) semaphore(%arg12 : memref<!tpu.dma_semaphore, #tpu.memory_space<semaphore_mem>>)
      %dma_start3A_18 = arith.constant 0 : i32
      %dma_start3A_19 = arith.constant 0 : i32
      %dma_start3A_20 = tpu.memref_slice %arg2[%dma_start3A_18, %dma_start3A_19] : memref<100000x48xf32, #tpu.memory_space<hbm>> -> memref<100000x48xf32, #tpu.memory_space<hbm>>
      tpu.enqueue_indirect_dma source(%dma_start3A_20 : memref<100000x48xf32, #tpu.memory_space<hbm>>) target(%arg10 : memref<1000x48xf32, #tpu.memory_space<vmem>>) offsets(%arg8 : memref<1000xi32, #tpu.memory_space<vmem>>) semaphore(%arg13 : memref<!tpu.dma_semaphore, #tpu.memory_space<semaphore_mem>>)
      %dma_wait3A = arith.constant 0 : i32
      %dma_wait3A_21 = arith.constant 0 : i32
      %dma_wait3A_22 = tpu.memref_slice %arg2[%dma_wait3A, %dma_wait3A_21] : memref<100000x48xf32, #tpu.memory_space<hbm>> -> memref<100000x48xf32, #tpu.memory_space<hbm>>
      tpu.wait_indirect_dma semaphore(%arg12 : memref<!tpu.dma_semaphore, #tpu.memory_space<semaphore_mem>>) src(%dma_wait3A_22 : memref<100000x48xf32, #tpu.memory_space<hbm>>) dst(%arg9 : memref<1000x48xf32, #tpu.memory_space<vmem>>)
      "tpu.region"() ({
        %run_scoped3A = tpu.sem_alloc : memref<!tpu.dma_semaphore, #tpu.memory_space<semaphore_mem>>
        %dma_start3A_30 = arith.constant 0 : i32
        %dma_start3A_31 = tpu.memref_slice %arg6[%add3A_11, %dma_start3A_30] : memref<1600000x128xf32, #tpu.memory_space<hbm>> -> memref<1000x48xf32, #tpu.memory_space<hbm>>
        %dma_start3A_32 = arith.constant 0 : i32
        %dma_start3A_33 = tpu.memref_slice %arg6[%add3A_11, %dma_start3A_32] : memref<1600000x128xf32, #tpu.memory_space<hbm>> -> memref<1000x48xf32, #tpu.memory_space<hbm>>
        tpu.enqueue_dma source(%arg9 : memref<1000x48xf32, #tpu.memory_space<vmem>>) target(%dma_start3A_33 : memref<1000x48xf32, #tpu.memory_space<hbm>>) target_semaphore(%run_scoped3A : memref<!tpu.dma_semaphore, #tpu.memory_space<semaphore_mem>>)
        %dma_wait3A_34 = arith.constant 0 : i32
        %dma_wait3A_35 = tpu.memref_slice %arg6[%add3A_11, %dma_wait3A_34] : memref<1600000x128xf32, #tpu.memory_space<hbm>> -> memref<1000x48xf32, #tpu.memory_space<hbm>>
        %dma_wait3A_36 = arith.constant 0 : i32
        %dma_wait3A_37 = tpu.memref_slice %arg6[%add3A_11, %dma_wait3A_36] : memref<1600000x128xf32, #tpu.memory_space<hbm>> -> memref<1000x48xf32, #tpu.memory_space<hbm>>
        tpu.wait_dma2 semaphore(%run_scoped3A : memref<!tpu.dma_semaphore, #tpu.memory_space<semaphore_mem>>) src(%arg9 : memref<1000x48xf32, #tpu.memory_space<vmem>>) dst(%dma_wait3A_37 : memref<1000x48xf32, #tpu.memory_space<hbm>>)
        tpu.yield
      }) : () -> ()
      %dma_wait3A_23 = arith.constant 0 : i32
      %dma_wait3A_24 = arith.constant 0 : i32
      %dma_wait3A_25 = tpu.memref_slice %arg2[%dma_wait3A_23, %dma_wait3A_24] : memref<100000x48xf32, #tpu.memory_space<hbm>> -> memref<100000x48xf32, #tpu.memory_space<hbm>>
      tpu.wait_indirect_dma semaphore(%arg13 : memref<!tpu.dma_semaphore, #tpu.memory_space<semaphore_mem>>) src(%dma_wait3A_25 : memref<100000x48xf32, #tpu.memory_space<hbm>>) dst(%arg10 : memref<1000x48xf32, #tpu.memory_space<vmem>>)
      "tpu.region"() ({
        %run_scoped3A = tpu.sem_alloc : memref<!tpu.dma_semaphore, #tpu.memory_space<semaphore_mem>>
        %dma_start3A_30 = arith.constant 48 : i32
        %dma_start3A_31 = tpu.memref_slice %arg6[%add3A_11, %dma_start3A_30] : memref<1600000x128xf32, #tpu.memory_space<hbm>> -> memref<1000x48xf32, #tpu.memory_space<hbm>>
        %dma_start3A_32 = arith.constant 48 : i32
        %dma_start3A_33 = tpu.memref_slice %arg6[%add3A_11, %dma_start3A_32] : memref<1600000x128xf32, #tpu.memory_space<hbm>> -> memref<1000x48xf32, #tpu.memory_space<hbm>>
        tpu.enqueue_dma source(%arg10 : memref<1000x48xf32, #tpu.memory_space<vmem>>) target(%dma_start3A_33 : memref<1000x48xf32, #tpu.memory_space<hbm>>) target_semaphore(%run_scoped3A : memref<!tpu.dma_semaphore, #tpu.memory_space<semaphore_mem>>)
        %dma_wait3A_34 = arith.constant 48 : i32
        %dma_wait3A_35 = tpu.memref_slice %arg6[%add3A_11, %dma_wait3A_34] : memref<1600000x128xf32, #tpu.memory_space<hbm>> -> memref<1000x48xf32, #tpu.memory_space<hbm>>
        %dma_wait3A_36 = arith.constant 48 : i32
        %dma_wait3A_37 = tpu.memref_slice %arg6[%add3A_11, %dma_wait3A_36] : memref<1600000x128xf32, #tpu.memory_space<hbm>> -> memref<1000x48xf32, #tpu.memory_space<hbm>>
        tpu.wait_dma2 semaphore(%run_scoped3A : memref<!tpu.dma_semaphore, #tpu.memory_space<semaphore_mem>>) src(%arg10 : memref<1000x48xf32, #tpu.memory_space<vmem>>) dst(%dma_wait3A_37 : memref<1000x48xf32, #tpu.memory_space<hbm>>)
        tpu.yield
      }) : () -> ()
      %dma_wait3A_26 = arith.constant 0 : i32
      %dma_wait3A_27 = tpu.memref_slice %arg5[%add3A_11, %dma_wait3A_26] : memref<1600000x16xf32, #tpu.memory_space<hbm>> -> memref<1000x16xf32, #tpu.memory_space<hbm>>
      %dma_wait3A_28 = arith.constant 0 : i32
      %dma_wait3A_29 = tpu.memref_slice %arg5[%add3A_11, %dma_wait3A_28] : memref<1600000x16xf32, #tpu.memory_space<hbm>> -> memref<1000x16xf32, #tpu.memory_space<hbm>>
      tpu.wait_dma2 semaphore(%arg14 : memref<!tpu.dma_semaphore, #tpu.memory_space<semaphore_mem>>) src(%dma_wait3A_29 : memref<1000x16xf32, #tpu.memory_space<hbm>>) dst(%arg11 : memref<1000x16xf32, #tpu.memory_space<vmem>>)
      "tpu.region"() ({
        %run_scoped3A = tpu.sem_alloc : memref<!tpu.dma_semaphore, #tpu.memory_space<semaphore_mem>>
        %dma_start3A_30 = arith.constant 96 : i32
        %dma_start3A_31 = tpu.memref_slice %arg6[%add3A_11, %dma_start3A_30] : memref<1600000x128xf32, #tpu.memory_space<hbm>> -> memref<1000x16xf32, #tpu.memory_space<hbm>>
        %dma_start3A_32 = arith.constant 96 : i32
        %dma_start3A_33 = tpu.memref_slice %arg6[%add3A_11, %dma_start3A_32] : memref<1600000x128xf32, #tpu.memory_space<hbm>> -> memref<1000x16xf32, #tpu.memory_space<hbm>>
        tpu.enqueue_dma source(%arg11 : memref<1000x16xf32, #tpu.memory_space<vmem>>) target(%dma_start3A_33 : memref<1000x16xf32, #tpu.memory_space<hbm>>) target_semaphore(%run_scoped3A : memref<!tpu.dma_semaphore, #tpu.memory_space<semaphore_mem>>)
        %dma_wait3A_34 = arith.constant 96 : i32
        %dma_wait3A_35 = tpu.memref_slice %arg6[%add3A_11, %dma_wait3A_34] : memref<1600000x128xf32, #tpu.memory_space<hbm>> -> memref<1000x16xf32, #tpu.memory_space<hbm>>
        %dma_wait3A_36 = arith.constant 96 : i32
        %dma_wait3A_37 = tpu.memref_slice %arg6[%add3A_11, %dma_wait3A_36] : memref<1600000x128xf32, #tpu.memory_space<hbm>> -> memref<1000x16xf32, #tpu.memory_space<hbm>>
        tpu.wait_dma2 semaphore(%run_scoped3A : memref<!tpu.dma_semaphore, #tpu.memory_space<semaphore_mem>>) src(%arg11 : memref<1000x16xf32, #tpu.memory_space<vmem>>) dst(%dma_wait3A_37 : memref<1000x16xf32, #tpu.memory_space<hbm>>)
        tpu.yield
      }) : () -> ()
    }
    %scan3A_7 = arith.constant 50 : i32
    return
  }
}

#map = affine_map<(d0, d1) -> (0, 0)>
#map1 = affine_map<(d0, d1) -> (0)>
#map2 = affine_map<(d0, d1) -> (0, 0, 0)>
module attributes {stable_mosaic.version = 14 : i64} {
  func.func @scatter_k(%arg0: i32, %arg1: i32, %arg2: memref<1600000x48xf32, #tpu.memory_space<hbm>>, %arg3: memref<1600000xi32, #tpu.memory_space<hbm>>, %arg4: memref<100000x16xf32, #tpu.memory_space<hbm>>, %arg5: memref<2x100000x16xf32, #tpu.memory_space<hbm>>, %arg6: memref<2x100000x16xf32, #tpu.memory_space<hbm>>, %arg7: memref<1000xi32, #tpu.memory_space<vmem>>, %arg8: memref<1000x16xf32, #tpu.memory_space<vmem>>, %arg9: memref<100000x16xf32, #tpu.memory_space<vmem_shared>>) attributes {dimension_semantics = [#tpu.dimension_semantics<core_parallel>, #tpu.dimension_semantics<subcore_parallel>], iteration_bounds = array<i64: 2, 16>, scalar_prefetch = 0 : i64, scratch_operands = 3 : i64, tpu.core_type = #tpu.core_type<sc_vector_subcore>, window_params = [{transform_indices = #map}, {transform_indices = #map1}, {transform_indices = #map}, {transform_indices = #map2}, {transform_indices = #map2}]} {
    %mul3A = arith.constant 6250 : i32
    %mul3A_0 = arith.muli %arg1, %mul3A : i32
    %mul3A_1 = arith.constant 100000 : i32
    %mul3A_2 = arith.muli %arg1, %mul3A_1 : i32
    %mul3A_3 = arith.constant 16 : i32
    %mul3A_4 = arith.muli %arg0, %mul3A_3 : i32
    "tpu.region"() ({
      %run_scoped3A = tpu.sem_alloc : memref<!tpu.dma_semaphore, #tpu.memory_space<semaphore_mem>>
      %dma_start3A = arith.constant 0 : i32
      %dma_start3A_25 = tpu.memref_slice %arg9[%mul3A_0, %dma_start3A] : memref<100000x16xf32, #tpu.memory_space<vmem_shared>> -> memref<6250x16xf32, #tpu.memory_space<vmem_shared>>
      %dma_start3A_26 = arith.constant 0 : i32
      %dma_start3A_27 = tpu.memref_slice %arg4[%mul3A_0, %dma_start3A_26] : memref<100000x16xf32, #tpu.memory_space<hbm>> -> memref<6250x16xf32, #tpu.memory_space<hbm>>
      tpu.enqueue_dma source(%dma_start3A_27 : memref<6250x16xf32, #tpu.memory_space<hbm>>) target(%dma_start3A_25 : memref<6250x16xf32, #tpu.memory_space<vmem_shared>>) target_semaphore(%run_scoped3A : memref<!tpu.dma_semaphore, #tpu.memory_space<semaphore_mem>>)
      %dma_wait3A = arith.constant 0 : i32
      %dma_wait3A_28 = tpu.memref_slice %arg9[%mul3A_0, %dma_wait3A] : memref<100000x16xf32, #tpu.memory_space<vmem_shared>> -> memref<6250x16xf32, #tpu.memory_space<vmem_shared>>
      %dma_wait3A_29 = arith.constant 0 : i32
      %dma_wait3A_30 = tpu.memref_slice %arg4[%mul3A_0, %dma_wait3A_29] : memref<100000x16xf32, #tpu.memory_space<hbm>> -> memref<6250x16xf32, #tpu.memory_space<hbm>>
      tpu.wait_dma2 semaphore(%run_scoped3A : memref<!tpu.dma_semaphore, #tpu.memory_space<semaphore_mem>>) src(%dma_wait3A_30 : memref<6250x16xf32, #tpu.memory_space<hbm>>) dst(%dma_wait3A_28 : memref<6250x16xf32, #tpu.memory_space<vmem_shared>>)
      tpu.yield
    }) : () -> ()
    %barrier3A = arith.constant 0 : index
    tpu.barrier barrier_id(%barrier3A)
    %scan3A = arith.constant 0 : i32
    %scan3A_5 = arith.constant 0 : i32
    %scan3A_6 = arith.constant 100 : i32
    %scan3A_7 = arith.addi %scan3A_5, %scan3A_6 : i32
    %scan3A_8 = arith.constant 1 : i32
    scf.for %scan3A_25 = %scan3A_5 to %scan3A_7 step %scan3A_8  : i32 {
      %mul3A_26 = arith.constant 1000 : i32
      %mul3A_27 = arith.muli %scan3A_25, %mul3A_26 : i32
      %add3A_28 = arith.addi %mul3A_2, %mul3A_27 : i32
      "tpu.region"() ({
        %run_scoped3A = tpu.sem_alloc : memref<!tpu.dma_semaphore, #tpu.memory_space<semaphore_mem>>
        %dma_start3A = tpu.memref_slice %arg3[%add3A_28] : memref<1600000xi32, #tpu.memory_space<hbm>> -> memref<1000xi32, #tpu.memory_space<hbm>>
        %dma_start3A_29 = tpu.memref_slice %arg3[%add3A_28] : memref<1600000xi32, #tpu.memory_space<hbm>> -> memref<1000xi32, #tpu.memory_space<hbm>>
        tpu.enqueue_dma source(%dma_start3A_29 : memref<1000xi32, #tpu.memory_space<hbm>>) target(%arg7 : memref<1000xi32, #tpu.memory_space<vmem>>) target_semaphore(%run_scoped3A : memref<!tpu.dma_semaphore, #tpu.memory_space<semaphore_mem>>)
        %dma_wait3A = tpu.memref_slice %arg3[%add3A_28] : memref<1600000xi32, #tpu.memory_space<hbm>> -> memref<1000xi32, #tpu.memory_space<hbm>>
        %dma_wait3A_30 = tpu.memref_slice %arg3[%add3A_28] : memref<1600000xi32, #tpu.memory_space<hbm>> -> memref<1000xi32, #tpu.memory_space<hbm>>
        tpu.wait_dma2 semaphore(%run_scoped3A : memref<!tpu.dma_semaphore, #tpu.memory_space<semaphore_mem>>) src(%dma_wait3A_30 : memref<1000xi32, #tpu.memory_space<hbm>>) dst(%arg7 : memref<1000xi32, #tpu.memory_space<vmem>>)
        tpu.yield
      }) : () -> ()
      "tpu.region"() ({
        %run_scoped3A = tpu.sem_alloc : memref<!tpu.dma_semaphore, #tpu.memory_space<semaphore_mem>>
        %dma_start3A = tpu.memref_slice %arg2[%add3A_28, %mul3A_4] : memref<1600000x48xf32, #tpu.memory_space<hbm>> -> memref<1000x16xf32, #tpu.memory_space<hbm>>
        %dma_start3A_29 = tpu.memref_slice %arg2[%add3A_28, %mul3A_4] : memref<1600000x48xf32, #tpu.memory_space<hbm>> -> memref<1000x16xf32, #tpu.memory_space<hbm>>
        tpu.enqueue_dma source(%dma_start3A_29 : memref<1000x16xf32, #tpu.memory_space<hbm>>) target(%arg8 : memref<1000x16xf32, #tpu.memory_space<vmem>>) target_semaphore(%run_scoped3A : memref<!tpu.dma_semaphore, #tpu.memory_space<semaphore_mem>>)
        %dma_wait3A = tpu.memref_slice %arg2[%add3A_28, %mul3A_4] : memref<1600000x48xf32, #tpu.memory_space<hbm>> -> memref<1000x16xf32, #tpu.memory_space<hbm>>
        %dma_wait3A_30 = tpu.memref_slice %arg2[%add3A_28, %mul3A_4] : memref<1600000x48xf32, #tpu.memory_space<hbm>> -> memref<1000x16xf32, #tpu.memory_space<hbm>>
        tpu.wait_dma2 semaphore(%run_scoped3A : memref<!tpu.dma_semaphore, #tpu.memory_space<semaphore_mem>>) src(%dma_wait3A_30 : memref<1000x16xf32, #tpu.memory_space<hbm>>) dst(%arg8 : memref<1000x16xf32, #tpu.memory_space<vmem>>)
        tpu.yield
      }) : () -> ()
      "tpu.region"() ({
        %run_scoped3A = tpu.sem_alloc : memref<!tpu.dma_semaphore, #tpu.memory_space<semaphore_mem>>
        %dma_start3A = arith.constant 0 : i32
        %dma_start3A_29 = arith.constant 0 : i32
        %dma_start3A_30 = tpu.memref_slice %arg9[%dma_start3A, %dma_start3A_29] : memref<100000x16xf32, #tpu.memory_space<vmem_shared>> -> memref<100000x16xf32, #tpu.memory_space<vmem_shared>>
        tpu.enqueue_indirect_dma source(%arg8 : memref<1000x16xf32, #tpu.memory_space<vmem>>) target(%dma_start3A_30 : memref<100000x16xf32, #tpu.memory_space<vmem_shared>>) offsets(%arg7 : memref<1000xi32, #tpu.memory_space<vmem>>) semaphore(%run_scoped3A : memref<!tpu.dma_semaphore, #tpu.memory_space<semaphore_mem>>) {add = true}
        %dma_wait3A = arith.constant 0 : i32
        %dma_wait3A_31 = arith.constant 0 : i32
        %dma_wait3A_32 = tpu.memref_slice %arg9[%dma_wait3A, %dma_wait3A_31] : memref<100000x16xf32, #tpu.memory_space<vmem_shared>> -> memref<100000x16xf32, #tpu.memory_space<vmem_shared>>
        tpu.wait_indirect_dma semaphore(%run_scoped3A : memref<!tpu.dma_semaphore, #tpu.memory_space<semaphore_mem>>) src(%arg8 : memref<1000x16xf32, #tpu.memory_space<vmem>>) dst(%dma_wait3A_32 : memref<100000x16xf32, #tpu.memory_space<vmem_shared>>)
        tpu.yield
      }) : () -> ()
    }
    %scan3A_9 = arith.constant 100 : i32
    %barrier3A_10 = arith.constant 0 : index
    tpu.barrier barrier_id(%barrier3A_10)
    "tpu.region"() ({
      %run_scoped3A = tpu.sem_alloc : memref<!tpu.dma_semaphore, #tpu.memory_space<semaphore_mem>>
      %dma_start3A = arith.constant 0 : i32
      %dma_start3A_25 = tpu.memref_slice %arg5[%arg0, %mul3A_0, %dma_start3A] : memref<2x100000x16xf32, #tpu.memory_space<hbm>> -> memref<1x6250x16xf32, #tpu.memory_space<hbm>>
      %dma_start3A_26 = tpu.memref_squeeze %dma_start3A_25 : memref<1x6250x16xf32, #tpu.memory_space<hbm>> -> memref<6250x16xf32, #tpu.memory_space<hbm>>
      %dma_start3A_27 = arith.constant 0 : i32
      %dma_start3A_28 = tpu.memref_slice %arg9[%mul3A_0, %dma_start3A_27] : memref<100000x16xf32, #tpu.memory_space<vmem_shared>> -> memref<6250x16xf32, #tpu.memory_space<vmem_shared>>
      tpu.enqueue_dma source(%dma_start3A_28 : memref<6250x16xf32, #tpu.memory_space<vmem_shared>>) target(%dma_start3A_26 : memref<6250x16xf32, #tpu.memory_space<hbm>>) target_semaphore(%run_scoped3A : memref<!tpu.dma_semaphore, #tpu.memory_space<semaphore_mem>>)
      %dma_wait3A = arith.constant 0 : i32
      %dma_wait3A_29 = tpu.memref_slice %arg5[%arg0, %mul3A_0, %dma_wait3A] : memref<2x100000x16xf32, #tpu.memory_space<hbm>> -> memref<1x6250x16xf32, #tpu.memory_space<hbm>>
      %dma_wait3A_30 = tpu.memref_squeeze %dma_wait3A_29 : memref<1x6250x16xf32, #tpu.memory_space<hbm>> -> memref<6250x16xf32, #tpu.memory_space<hbm>>
      %dma_wait3A_31 = arith.constant 0 : i32
      %dma_wait3A_32 = tpu.memref_slice %arg9[%mul3A_0, %dma_wait3A_31] : memref<100000x16xf32, #tpu.memory_space<vmem_shared>> -> memref<6250x16xf32, #tpu.memory_space<vmem_shared>>
      tpu.wait_dma2 semaphore(%run_scoped3A : memref<!tpu.dma_semaphore, #tpu.memory_space<semaphore_mem>>) src(%dma_wait3A_32 : memref<6250x16xf32, #tpu.memory_space<vmem_shared>>) dst(%dma_wait3A_30 : memref<6250x16xf32, #tpu.memory_space<hbm>>)
      tpu.yield
    }) : () -> ()
    %barrier3A_11 = arith.constant 0 : index
    tpu.barrier barrier_id(%barrier3A_11)
    %mul3A_12 = arith.constant 800000 : i32
    %mul3A_13 = arith.muli %arg0, %mul3A_12 : i32
    %mul3A_14 = arith.constant 50000 : i32
    %mul3A_15 = arith.muli %arg1, %mul3A_14 : i32
    %add3A = arith.addi %mul3A_13, %mul3A_15 : i32
    "tpu.region"() ({
      %run_scoped3A = tpu.sem_alloc : memref<!tpu.dma_semaphore, #tpu.memory_space<semaphore_mem>>
      %dma_start3A = arith.constant 0 : i32
      %dma_start3A_25 = tpu.memref_slice %arg9[%mul3A_0, %dma_start3A] : memref<100000x16xf32, #tpu.memory_space<vmem_shared>> -> memref<6250x16xf32, #tpu.memory_space<vmem_shared>>
      %dma_start3A_26 = arith.constant 0 : i32
      %dma_start3A_27 = tpu.memref_slice %arg4[%mul3A_0, %dma_start3A_26] : memref<100000x16xf32, #tpu.memory_space<hbm>> -> memref<6250x16xf32, #tpu.memory_space<hbm>>
      tpu.enqueue_dma source(%dma_start3A_27 : memref<6250x16xf32, #tpu.memory_space<hbm>>) target(%dma_start3A_25 : memref<6250x16xf32, #tpu.memory_space<vmem_shared>>) target_semaphore(%run_scoped3A : memref<!tpu.dma_semaphore, #tpu.memory_space<semaphore_mem>>)
      %dma_wait3A = arith.constant 0 : i32
      %dma_wait3A_28 = tpu.memref_slice %arg9[%mul3A_0, %dma_wait3A] : memref<100000x16xf32, #tpu.memory_space<vmem_shared>> -> memref<6250x16xf32, #tpu.memory_space<vmem_shared>>
      %dma_wait3A_29 = arith.constant 0 : i32
      %dma_wait3A_30 = tpu.memref_slice %arg4[%mul3A_0, %dma_wait3A_29] : memref<100000x16xf32, #tpu.memory_space<hbm>> -> memref<6250x16xf32, #tpu.memory_space<hbm>>
      tpu.wait_dma2 semaphore(%run_scoped3A : memref<!tpu.dma_semaphore, #tpu.memory_space<semaphore_mem>>) src(%dma_wait3A_30 : memref<6250x16xf32, #tpu.memory_space<hbm>>) dst(%dma_wait3A_28 : memref<6250x16xf32, #tpu.memory_space<vmem_shared>>)
      tpu.yield
    }) : () -> ()
    %barrier3A_16 = arith.constant 0 : index
    tpu.barrier barrier_id(%barrier3A_16)
    %scan3A_17 = arith.constant 0 : i32
    %scan3A_18 = arith.constant 0 : i32
    %scan3A_19 = arith.constant 50 : i32
    %scan3A_20 = arith.addi %scan3A_18, %scan3A_19 : i32
    %scan3A_21 = arith.constant 1 : i32
    scf.for %scan3A_25 = %scan3A_18 to %scan3A_20 step %scan3A_21  : i32 {
      %mul3A_26 = arith.constant 1000 : i32
      %mul3A_27 = arith.muli %scan3A_25, %mul3A_26 : i32
      %add3A_28 = arith.addi %add3A, %mul3A_27 : i32
      "tpu.region"() ({
        %run_scoped3A = tpu.sem_alloc : memref<!tpu.dma_semaphore, #tpu.memory_space<semaphore_mem>>
        %dma_start3A = tpu.memref_slice %arg3[%add3A_28] : memref<1600000xi32, #tpu.memory_space<hbm>> -> memref<1000xi32, #tpu.memory_space<hbm>>
        %dma_start3A_29 = tpu.memref_slice %arg3[%add3A_28] : memref<1600000xi32, #tpu.memory_space<hbm>> -> memref<1000xi32, #tpu.memory_space<hbm>>
        tpu.enqueue_dma source(%dma_start3A_29 : memref<1000xi32, #tpu.memory_space<hbm>>) target(%arg7 : memref<1000xi32, #tpu.memory_space<vmem>>) target_semaphore(%run_scoped3A : memref<!tpu.dma_semaphore, #tpu.memory_space<semaphore_mem>>)
        %dma_wait3A = tpu.memref_slice %arg3[%add3A_28] : memref<1600000xi32, #tpu.memory_space<hbm>> -> memref<1000xi32, #tpu.memory_space<hbm>>
        %dma_wait3A_30 = tpu.memref_slice %arg3[%add3A_28] : memref<1600000xi32, #tpu.memory_space<hbm>> -> memref<1000xi32, #tpu.memory_space<hbm>>
        tpu.wait_dma2 semaphore(%run_scoped3A : memref<!tpu.dma_semaphore, #tpu.memory_space<semaphore_mem>>) src(%dma_wait3A_30 : memref<1000xi32, #tpu.memory_space<hbm>>) dst(%arg7 : memref<1000xi32, #tpu.memory_space<vmem>>)
        tpu.yield
      }) : () -> ()
      "tpu.region"() ({
        %run_scoped3A = tpu.sem_alloc : memref<!tpu.dma_semaphore, #tpu.memory_space<semaphore_mem>>
        %dma_start3A = arith.constant 32 : i32
        %dma_start3A_29 = tpu.memref_slice %arg2[%add3A_28, %dma_start3A] : memref<1600000x48xf32, #tpu.memory_space<hbm>> -> memref<1000x16xf32, #tpu.memory_space<hbm>>
        %dma_start3A_30 = arith.constant 32 : i32
        %dma_start3A_31 = tpu.memref_slice %arg2[%add3A_28, %dma_start3A_30] : memref<1600000x48xf32, #tpu.memory_space<hbm>> -> memref<1000x16xf32, #tpu.memory_space<hbm>>
        tpu.enqueue_dma source(%dma_start3A_31 : memref<1000x16xf32, #tpu.memory_space<hbm>>) target(%arg8 : memref<1000x16xf32, #tpu.memory_space<vmem>>) target_semaphore(%run_scoped3A : memref<!tpu.dma_semaphore, #tpu.memory_space<semaphore_mem>>)
        %dma_wait3A = arith.constant 32 : i32
        %dma_wait3A_32 = tpu.memref_slice %arg2[%add3A_28, %dma_wait3A] : memref<1600000x48xf32, #tpu.memory_space<hbm>> -> memref<1000x16xf32, #tpu.memory_space<hbm>>
        %dma_wait3A_33 = arith.constant 32 : i32
        %dma_wait3A_34 = tpu.memref_slice %arg2[%add3A_28, %dma_wait3A_33] : memref<1600000x48xf32, #tpu.memory_space<hbm>> -> memref<1000x16xf32, #tpu.memory_space<hbm>>
        tpu.wait_dma2 semaphore(%run_scoped3A : memref<!tpu.dma_semaphore, #tpu.memory_space<semaphore_mem>>) src(%dma_wait3A_34 : memref<1000x16xf32, #tpu.memory_space<hbm>>) dst(%arg8 : memref<1000x16xf32, #tpu.memory_space<vmem>>)
        tpu.yield
      }) : () -> ()
      "tpu.region"() ({
        %run_scoped3A = tpu.sem_alloc : memref<!tpu.dma_semaphore, #tpu.memory_space<semaphore_mem>>
        %dma_start3A = arith.constant 0 : i32
        %dma_start3A_29 = arith.constant 0 : i32
        %dma_start3A_30 = tpu.memref_slice %arg9[%dma_start3A, %dma_start3A_29] : memref<100000x16xf32, #tpu.memory_space<vmem_shared>> -> memref<100000x16xf32, #tpu.memory_space<vmem_shared>>
        tpu.enqueue_indirect_dma source(%arg8 : memref<1000x16xf32, #tpu.memory_space<vmem>>) target(%dma_start3A_30 : memref<100000x16xf32, #tpu.memory_space<vmem_shared>>) offsets(%arg7 : memref<1000xi32, #tpu.memory_space<vmem>>) semaphore(%run_scoped3A : memref<!tpu.dma_semaphore, #tpu.memory_space<semaphore_mem>>) {add = true}
        %dma_wait3A = arith.constant 0 : i32
        %dma_wait3A_31 = arith.constant 0 : i32
        %dma_wait3A_32 = tpu.memref_slice %arg9[%dma_wait3A, %dma_wait3A_31] : memref<100000x16xf32, #tpu.memory_space<vmem_shared>> -> memref<100000x16xf32, #tpu.memory_space<vmem_shared>>
        tpu.wait_indirect_dma semaphore(%run_scoped3A : memref<!tpu.dma_semaphore, #tpu.memory_space<semaphore_mem>>) src(%arg8 : memref<1000x16xf32, #tpu.memory_space<vmem>>) dst(%dma_wait3A_32 : memref<100000x16xf32, #tpu.memory_space<vmem_shared>>)
        tpu.yield
      }) : () -> ()
    }
    %scan3A_22 = arith.constant 50 : i32
    %barrier3A_23 = arith.constant 0 : index
    tpu.barrier barrier_id(%barrier3A_23)
    "tpu.region"() ({
      %run_scoped3A = tpu.sem_alloc : memref<!tpu.dma_semaphore, #tpu.memory_space<semaphore_mem>>
      %dma_start3A = arith.constant 0 : i32
      %dma_start3A_25 = tpu.memref_slice %arg6[%arg0, %mul3A_0, %dma_start3A] : memref<2x100000x16xf32, #tpu.memory_space<hbm>> -> memref<1x6250x16xf32, #tpu.memory_space<hbm>>
      %dma_start3A_26 = tpu.memref_squeeze %dma_start3A_25 : memref<1x6250x16xf32, #tpu.memory_space<hbm>> -> memref<6250x16xf32, #tpu.memory_space<hbm>>
      %dma_start3A_27 = arith.constant 0 : i32
      %dma_start3A_28 = tpu.memref_slice %arg9[%mul3A_0, %dma_start3A_27] : memref<100000x16xf32, #tpu.memory_space<vmem_shared>> -> memref<6250x16xf32, #tpu.memory_space<vmem_shared>>
      tpu.enqueue_dma source(%dma_start3A_28 : memref<6250x16xf32, #tpu.memory_space<vmem_shared>>) target(%dma_start3A_26 : memref<6250x16xf32, #tpu.memory_space<hbm>>) target_semaphore(%run_scoped3A : memref<!tpu.dma_semaphore, #tpu.memory_space<semaphore_mem>>)
      %dma_wait3A = arith.constant 0 : i32
      %dma_wait3A_29 = tpu.memref_slice %arg6[%arg0, %mul3A_0, %dma_wait3A] : memref<2x100000x16xf32, #tpu.memory_space<hbm>> -> memref<1x6250x16xf32, #tpu.memory_space<hbm>>
      %dma_wait3A_30 = tpu.memref_squeeze %dma_wait3A_29 : memref<1x6250x16xf32, #tpu.memory_space<hbm>> -> memref<6250x16xf32, #tpu.memory_space<hbm>>
      %dma_wait3A_31 = arith.constant 0 : i32
      %dma_wait3A_32 = tpu.memref_slice %arg9[%mul3A_0, %dma_wait3A_31] : memref<100000x16xf32, #tpu.memory_space<vmem_shared>> -> memref<6250x16xf32, #tpu.memory_space<vmem_shared>>
      tpu.wait_dma2 semaphore(%run_scoped3A : memref<!tpu.dma_semaphore, #tpu.memory_space<semaphore_mem>>) src(%dma_wait3A_32 : memref<6250x16xf32, #tpu.memory_space<vmem_shared>>) dst(%dma_wait3A_30 : memref<6250x16xf32, #tpu.memory_space<hbm>>)
      tpu.yield
    }) : () -> ()
    %barrier3A_24 = arith.constant 0 : index
    tpu.barrier barrier_id(%barrier3A_24)
    return
  }
}

module attributes {stable_mosaic.version = 14 : i64} {
  func.func @_edge_body(%arg0: i32, %arg1: memref<8000x128xf32, #tpu.memory_space<vmem>>, %arg2: memref<1x128xf32, #tpu.memory_space<vmem>>, %arg3: memref<128x64xf32, #tpu.memory_space<vmem>>, %arg4: memref<1x64xf32, #tpu.memory_space<vmem>>, %arg5: memref<64x64xf32, #tpu.memory_space<vmem>>, %arg6: memref<1x64xf32, #tpu.memory_space<vmem>>, %arg7: memref<64x64xf32, #tpu.memory_space<vmem>>, %arg8: memref<1x64xf32, #tpu.memory_space<vmem>>, %arg9: memref<64x64xf32, #tpu.memory_space<vmem>>, %arg10: memref<1x64xf32, #tpu.memory_space<vmem>>, %arg11: memref<64x64xf32, #tpu.memory_space<vmem>>, %arg12: memref<1x64xf32, #tpu.memory_space<vmem>>, %arg13: memref<64x3xf32, #tpu.memory_space<vmem>>, %arg14: memref<1x3xf32, #tpu.memory_space<vmem>>, %arg15: memref<64x64xf32, #tpu.memory_space<vmem>>, %arg16: memref<1x64xf32, #tpu.memory_space<vmem>>, %arg17: memref<64x64xf32, #tpu.memory_space<vmem>>, %arg18: memref<1x64xf32, #tpu.memory_space<vmem>>, %arg19: memref<64x32xf32, #tpu.memory_space<vmem>>, %arg20: memref<1x32xf32, #tpu.memory_space<vmem>>, %arg21: memref<8000x48xf32, #tpu.memory_space<vmem>>) attributes {dimension_semantics = [#tpu.dimension_semantics<arbitrary>], iteration_bounds = array<i64: 200>, scalar_prefetch = 0 : i64, scratch_operands = 0 : i64, tpu.core_type = #tpu.core_type<tc>, window_params = [{transform_indices = @transform_0, window_bounds = array<i64: 8000, 128>}, {pipeline_mode = #tpu.pipeline_mode<synchronous>, transform_indices = @transform_1, window_bounds = array<i64: 1, 128>}, {pipeline_mode = #tpu.pipeline_mode<synchronous>, transform_indices = @transform_2, window_bounds = array<i64: 128, 64>}, {pipeline_mode = #tpu.pipeline_mode<synchronous>, transform_indices = @transform_3, window_bounds = array<i64: 1, 64>}, {pipeline_mode = #tpu.pipeline_mode<synchronous>, transform_indices = @transform_4, window_bounds = array<i64: 64, 64>}, {pipeline_mode = #tpu.pipeline_mode<synchronous>, transform_indices = @transform_5, window_bounds = array<i64: 1, 64>}, {pipeline_mode = #tpu.pipeline_mode<synchronous>, transform_indices = @transform_6, window_bounds = array<i64: 64, 64>}, {pipeline_mode = #tpu.pipeline_mode<synchronous>, transform_indices = @transform_7, window_bounds = array<i64: 1, 64>}, {pipeline_mode = #tpu.pipeline_mode<synchronous>, transform_indices = @transform_8, window_bounds = array<i64: 64, 64>}, {pipeline_mode = #tpu.pipeline_mode<synchronous>, transform_indices = @transform_9, window_bounds = array<i64: 1, 64>}, {pipeline_mode = #tpu.pipeline_mode<synchronous>, transform_indices = @transform_10, window_bounds = array<i64: 64, 64>}, {pipeline_mode = #tpu.pipeline_mode<synchronous>, transform_indices = @transform_11, window_bounds = array<i64: 1, 64>}, {pipeline_mode = #tpu.pipeline_mode<synchronous>, transform_indices = @transform_12, window_bounds = array<i64: 64, 3>}, {pipeline_mode = #tpu.pipeline_mode<synchronous>, transform_indices = @transform_13, window_bounds = array<i64: 1, 3>}, {pipeline_mode = #tpu.pipeline_mode<synchronous>, transform_indices = @transform_14, window_bounds = array<i64: 64, 64>}, {pipeline_mode = #tpu.pipeline_mode<synchronous>, transform_indices = @transform_15, window_bounds = array<i64: 1, 64>}, {pipeline_mode = #tpu.pipeline_mode<synchronous>, transform_indices = @transform_16, window_bounds = array<i64: 64, 64>}, {pipeline_mode = #tpu.pipeline_mode<synchronous>, transform_indices = @transform_17, window_bounds = array<i64: 1, 64>}, {pipeline_mode = #tpu.pipeline_mode<synchronous>, transform_indices = @transform_18, window_bounds = array<i64: 64, 32>}, {pipeline_mode = #tpu.pipeline_mode<synchronous>, transform_indices = @transform_19, window_bounds = array<i64: 1, 32>}, {transform_indices = @transform_20, window_bounds = array<i64: 8000, 48>}]} {
    %get3A = arith.constant 0 : index
    %get3A_0 = arith.constant 0 : index
    %get3A_1 = vector.load %arg1[%get3A, %get3A_0] : memref<8000x128xf32, #tpu.memory_space<vmem>>, vector<8000x128xf32>
    %get3A_2 = arith.constant 0 : index
    %get3A_3 = arith.constant 0 : index
    %get3A_4 = vector.load %arg2[%get3A_2, %get3A_3] : memref<1x128xf32, #tpu.memory_space<vmem>>, vector<1x128xf32>
    %mul3A = arith.mulf %get3A_1, %get3A_1 : vector<8000x128xf32>
    %mul3A_5 = vector.broadcast %get3A_4 : vector<1x128xf32> to vector<8000x128xf32>
    %mul3A_6 = arith.mulf %mul3A, %mul3A_5 : vector<8000x128xf32>
    %reduce_sum3A = arith.constant dense<0.000000e+00> : vector<8000xf32>
    %reduce_sum3A_7 = vector.multi_reduction <add>, %mul3A_6, %reduce_sum3A [1] : vector<8000x128xf32> to vector<8000xf32>
    %broadcast_in_dim3A = vector.shape_cast %reduce_sum3A_7 : vector<8000xf32> to vector<8000x1xf32>
    %max3A = arith.constant 1.000000e-24 : f32
    %max3A_8 = vector.broadcast %max3A : f32 to vector<8000x1xf32>
    %max3A_9 = arith.maximumf %broadcast_in_dim3A, %max3A_8 : vector<8000x1xf32>
    %rsqrt3A = math.rsqrt %max3A_9 : vector<8000x1xf32>
    %mul3A_10 = vector.broadcast %get3A_4 : vector<1x128xf32> to vector<8000x128xf32>
    %mul3A_11 = vector.broadcast %rsqrt3A : vector<8000x1xf32> to vector<8000x128xf32>
    %mul3A_12 = arith.mulf %mul3A_10, %mul3A_11 : vector<8000x128xf32>
    %sub3A = arith.constant 1.000000e+00 : f32
    %sub3A_13 = vector.broadcast %sub3A : f32 to vector<1x128xf32>
    %sub3A_14 = arith.subf %sub3A_13, %get3A_4 : vector<1x128xf32>
    %add3A = vector.broadcast %sub3A_14 : vector<1x128xf32> to vector<8000x128xf32>
    %add3A_15 = arith.addf %mul3A_12, %add3A : vector<8000x128xf32>
    %mul3A_16 = arith.mulf %get3A_1, %add3A_15 : vector<8000x128xf32>
    %get3A_17 = arith.constant 0 : index
    %get3A_18 = arith.constant 0 : index
    %get3A_19 = vector.load %arg3[%get3A_17, %get3A_18] : memref<128x64xf32, #tpu.memory_space<vmem>>, vector<128x64xf32>
    %dot_general3A = arith.constant dense<0.000000e+00> : vector<8000x64xf32>
    %dot_general3A_20 = tpu.matmul %mul3A_16, %get3A_19, %dot_general3A {dimension_numbers = #tpu.dot_dimension_numbers<[1], [0], [0], [1], [0, 0, 1, 1], [], []>, transpose_lhs_hint = false} : vector<8000x128xf32>, vector<128x64xf32>, vector<8000x64xf32> -> vector<8000x64xf32>
    %get3A_21 = arith.constant 0 : index
    %get3A_22 = arith.constant 0 : index
    %get3A_23 = vector.load %arg4[%get3A_21, %get3A_22] : memref<1x64xf32, #tpu.memory_space<vmem>>, vector<1x64xf32>
    %add3A_24 = vector.broadcast %get3A_23 : vector<1x64xf32> to vector<8000x64xf32>
    %add3A_25 = arith.addf %dot_general3A_20, %add3A_24 : vector<8000x64xf32>
    %logistic3A = arith.negf %add3A_25 : vector<8000x64xf32>
    %logistic3A_26 = math.exp %logistic3A : vector<8000x64xf32>
    %logistic3A_27 = arith.constant 1.000000e+00 : f32
    %logistic3A_28 = vector.broadcast %logistic3A_27 : f32 to vector<8000x64xf32>
    %logistic3A_29 = arith.addf %logistic3A_28, %logistic3A_26 : vector<8000x64xf32>
    %logistic3A_30 = arith.divf %logistic3A_28, %logistic3A_29 : vector<8000x64xf32>
    %mul3A_31 = arith.mulf %add3A_25, %logistic3A_30 : vector<8000x64xf32>
    %get3A_32 = arith.constant 0 : index
    %get3A_33 = arith.constant 0 : index
    %get3A_34 = vector.load %arg5[%get3A_32, %get3A_33] : memref<64x64xf32, #tpu.memory_space<vmem>>, vector<64x64xf32>
    %dot_general3A_35 = arith.constant dense<0.000000e+00> : vector<8000x64xf32>
    %dot_general3A_36 = tpu.matmul %mul3A_31, %get3A_34, %dot_general3A_35 {dimension_numbers = #tpu.dot_dimension_numbers<[1], [0], [0], [1], [0, 0, 1, 1], [], []>, transpose_lhs_hint = false} : vector<8000x64xf32>, vector<64x64xf32>, vector<8000x64xf32> -> vector<8000x64xf32>
    %get3A_37 = arith.constant 0 : index
    %get3A_38 = arith.constant 0 : index
    %get3A_39 = vector.load %arg6[%get3A_37, %get3A_38] : memref<1x64xf32, #tpu.memory_space<vmem>>, vector<1x64xf32>
    %add3A_40 = vector.broadcast %get3A_39 : vector<1x64xf32> to vector<8000x64xf32>
    %add3A_41 = arith.addf %dot_general3A_36, %add3A_40 : vector<8000x64xf32>
    %logistic3A_42 = arith.negf %add3A_41 : vector<8000x64xf32>
    %logistic3A_43 = math.exp %logistic3A_42 : vector<8000x64xf32>
    %logistic3A_44 = arith.constant 1.000000e+00 : f32
    %logistic3A_45 = vector.broadcast %logistic3A_44 : f32 to vector<8000x64xf32>
    %logistic3A_46 = arith.addf %logistic3A_45, %logistic3A_43 : vector<8000x64xf32>
    %logistic3A_47 = arith.divf %logistic3A_45, %logistic3A_46 : vector<8000x64xf32>
    %mul3A_48 = arith.mulf %add3A_41, %logistic3A_47 : vector<8000x64xf32>
    %get3A_49 = arith.constant 0 : index
    %get3A_50 = arith.constant 0 : index
    %get3A_51 = vector.load %arg7[%get3A_49, %get3A_50] : memref<64x64xf32, #tpu.memory_space<vmem>>, vector<64x64xf32>
    %dot_general3A_52 = arith.constant dense<0.000000e+00> : vector<8000x64xf32>
    %dot_general3A_53 = tpu.matmul %mul3A_48, %get3A_51, %dot_general3A_52 {dimension_numbers = #tpu.dot_dimension_numbers<[1], [0], [0], [1], [0, 0, 1, 1], [], []>, transpose_lhs_hint = false} : vector<8000x64xf32>, vector<64x64xf32>, vector<8000x64xf32> -> vector<8000x64xf32>
    %get3A_54 = arith.constant 0 : index
    %get3A_55 = arith.constant 0 : index
    %get3A_56 = vector.load %arg8[%get3A_54, %get3A_55] : memref<1x64xf32, #tpu.memory_space<vmem>>, vector<1x64xf32>
    %add3A_57 = vector.broadcast %get3A_56 : vector<1x64xf32> to vector<8000x64xf32>
    %add3A_58 = arith.addf %dot_general3A_53, %add3A_57 : vector<8000x64xf32>
    %get3A_59 = arith.constant 0 : index
    %get3A_60 = arith.constant 0 : index
    %get3A_61 = vector.load %arg9[%get3A_59, %get3A_60] : memref<64x64xf32, #tpu.memory_space<vmem>>, vector<64x64xf32>
    %dot_general3A_62 = arith.constant dense<0.000000e+00> : vector<8000x64xf32>
    %dot_general3A_63 = tpu.matmul %add3A_58, %get3A_61, %dot_general3A_62 {dimension_numbers = #tpu.dot_dimension_numbers<[1], [0], [0], [1], [0, 0, 1, 1], [], []>, transpose_lhs_hint = false} : vector<8000x64xf32>, vector<64x64xf32>, vector<8000x64xf32> -> vector<8000x64xf32>
    %get3A_64 = arith.constant 0 : index
    %get3A_65 = arith.constant 0 : index
    %get3A_66 = vector.load %arg10[%get3A_64, %get3A_65] : memref<1x64xf32, #tpu.memory_space<vmem>>, vector<1x64xf32>
    %add3A_67 = vector.broadcast %get3A_66 : vector<1x64xf32> to vector<8000x64xf32>
    %add3A_68 = arith.addf %dot_general3A_63, %add3A_67 : vector<8000x64xf32>
    %logistic3A_69 = arith.negf %add3A_68 : vector<8000x64xf32>
    %logistic3A_70 = math.exp %logistic3A_69 : vector<8000x64xf32>
    %logistic3A_71 = arith.constant 1.000000e+00 : f32
    %logistic3A_72 = vector.broadcast %logistic3A_71 : f32 to vector<8000x64xf32>
    %logistic3A_73 = arith.addf %logistic3A_72, %logistic3A_70 : vector<8000x64xf32>
    %logistic3A_74 = arith.divf %logistic3A_72, %logistic3A_73 : vector<8000x64xf32>
    %mul3A_75 = arith.mulf %add3A_68, %logistic3A_74 : vector<8000x64xf32>
    %get3A_76 = arith.constant 0 : index
    %get3A_77 = arith.constant 0 : index
    %get3A_78 = vector.load %arg11[%get3A_76, %get3A_77] : memref<64x64xf32, #tpu.memory_space<vmem>>, vector<64x64xf32>
    %dot_general3A_79 = arith.constant dense<0.000000e+00> : vector<8000x64xf32>
    %dot_general3A_80 = tpu.matmul %mul3A_75, %get3A_78, %dot_general3A_79 {dimension_numbers = #tpu.dot_dimension_numbers<[1], [0], [0], [1], [0, 0, 1, 1], [], []>, transpose_lhs_hint = false} : vector<8000x64xf32>, vector<64x64xf32>, vector<8000x64xf32> -> vector<8000x64xf32>
    %get3A_81 = arith.constant 0 : index
    %get3A_82 = arith.constant 0 : index
    %get3A_83 = vector.load %arg12[%get3A_81, %get3A_82] : memref<1x64xf32, #tpu.memory_space<vmem>>, vector<1x64xf32>
    %add3A_84 = vector.broadcast %get3A_83 : vector<1x64xf32> to vector<8000x64xf32>
    %add3A_85 = arith.addf %dot_general3A_80, %add3A_84 : vector<8000x64xf32>
    %logistic3A_86 = arith.negf %add3A_85 : vector<8000x64xf32>
    %logistic3A_87 = math.exp %logistic3A_86 : vector<8000x64xf32>
    %logistic3A_88 = arith.constant 1.000000e+00 : f32
    %logistic3A_89 = vector.broadcast %logistic3A_88 : f32 to vector<8000x64xf32>
    %logistic3A_90 = arith.addf %logistic3A_89, %logistic3A_87 : vector<8000x64xf32>
    %logistic3A_91 = arith.divf %logistic3A_89, %logistic3A_90 : vector<8000x64xf32>
    %mul3A_92 = arith.mulf %add3A_85, %logistic3A_91 : vector<8000x64xf32>
    %get3A_93 = arith.constant 0 : index
    %get3A_94 = arith.constant 0 : index
    %get3A_95 = vector.load %arg13[%get3A_93, %get3A_94] : memref<64x3xf32, #tpu.memory_space<vmem>>, vector<64x3xf32>
    %dot_general3A_96 = arith.constant dense<0.000000e+00> : vector<8000x3xf32>
    %dot_general3A_97 = tpu.matmul %mul3A_92, %get3A_95, %dot_general3A_96 {dimension_numbers = #tpu.dot_dimension_numbers<[1], [0], [0], [1], [0, 0, 1, 1], [], []>, transpose_lhs_hint = false} : vector<8000x64xf32>, vector<64x3xf32>, vector<8000x3xf32> -> vector<8000x3xf32>
    %get3A_98 = arith.constant 0 : index
    %get3A_99 = arith.constant 0 : index
    %get3A_100 = vector.load %arg14[%get3A_98, %get3A_99] : memref<1x3xf32, #tpu.memory_space<vmem>>, vector<1x3xf32>
    %add3A_101 = vector.broadcast %get3A_100 : vector<1x3xf32> to vector<8000x3xf32>
    %add3A_102 = arith.addf %dot_general3A_97, %add3A_101 : vector<8000x3xf32>
    %get3A_103 = arith.constant 0 : index
    %get3A_104 = arith.constant 0 : index
    %get3A_105 = vector.load %arg15[%get3A_103, %get3A_104] : memref<64x64xf32, #tpu.memory_space<vmem>>, vector<64x64xf32>
    %dot_general3A_106 = arith.constant dense<0.000000e+00> : vector<8000x64xf32>
    %dot_general3A_107 = tpu.matmul %add3A_58, %get3A_105, %dot_general3A_106 {dimension_numbers = #tpu.dot_dimension_numbers<[1], [0], [0], [1], [0, 0, 1, 1], [], []>, transpose_lhs_hint = false} : vector<8000x64xf32>, vector<64x64xf32>, vector<8000x64xf32> -> vector<8000x64xf32>
    %get3A_108 = arith.constant 0 : index
    %get3A_109 = arith.constant 0 : index
    %get3A_110 = vector.load %arg16[%get3A_108, %get3A_109] : memref<1x64xf32, #tpu.memory_space<vmem>>, vector<1x64xf32>
    %add3A_111 = vector.broadcast %get3A_110 : vector<1x64xf32> to vector<8000x64xf32>
    %add3A_112 = arith.addf %dot_general3A_107, %add3A_111 : vector<8000x64xf32>
    %logistic3A_113 = arith.negf %add3A_112 : vector<8000x64xf32>
    %logistic3A_114 = math.exp %logistic3A_113 : vector<8000x64xf32>
    %logistic3A_115 = arith.constant 1.000000e+00 : f32
    %logistic3A_116 = vector.broadcast %logistic3A_115 : f32 to vector<8000x64xf32>
    %logistic3A_117 = arith.addf %logistic3A_116, %logistic3A_114 : vector<8000x64xf32>
    %logistic3A_118 = arith.divf %logistic3A_116, %logistic3A_117 : vector<8000x64xf32>
    %mul3A_119 = arith.mulf %add3A_112, %logistic3A_118 : vector<8000x64xf32>
    %get3A_120 = arith.constant 0 : index
    %get3A_121 = arith.constant 0 : index
    %get3A_122 = vector.load %arg17[%get3A_120, %get3A_121] : memref<64x64xf32, #tpu.memory_space<vmem>>, vector<64x64xf32>
    %dot_general3A_123 = arith.constant dense<0.000000e+00> : vector<8000x64xf32>
    %dot_general3A_124 = tpu.matmul %mul3A_119, %get3A_122, %dot_general3A_123 {dimension_numbers = #tpu.dot_dimension_numbers<[1], [0], [0], [1], [0, 0, 1, 1], [], []>, transpose_lhs_hint = false} : vector<8000x64xf32>, vector<64x64xf32>, vector<8000x64xf32> -> vector<8000x64xf32>
    %get3A_125 = arith.constant 0 : index
    %get3A_126 = arith.constant 0 : index
    %get3A_127 = vector.load %arg18[%get3A_125, %get3A_126] : memref<1x64xf32, #tpu.memory_space<vmem>>, vector<1x64xf32>
    %add3A_128 = vector.broadcast %get3A_127 : vector<1x64xf32> to vector<8000x64xf32>
    %add3A_129 = arith.addf %dot_general3A_124, %add3A_128 : vector<8000x64xf32>
    %logistic3A_130 = arith.negf %add3A_129 : vector<8000x64xf32>
    %logistic3A_131 = math.exp %logistic3A_130 : vector<8000x64xf32>
    %logistic3A_132 = arith.constant 1.000000e+00 : f32
    %logistic3A_133 = vector.broadcast %logistic3A_132 : f32 to vector<8000x64xf32>
    %logistic3A_134 = arith.addf %logistic3A_133, %logistic3A_131 : vector<8000x64xf32>
    %logistic3A_135 = arith.divf %logistic3A_133, %logistic3A_134 : vector<8000x64xf32>
    %mul3A_136 = arith.mulf %add3A_129, %logistic3A_135 : vector<8000x64xf32>
    %get3A_137 = arith.constant 0 : index
    %get3A_138 = arith.constant 0 : index
    %get3A_139 = vector.load %arg19[%get3A_137, %get3A_138] : memref<64x32xf32, #tpu.memory_space<vmem>>, vector<64x32xf32>
    %dot_general3A_140 = arith.constant dense<0.000000e+00> : vector<8000x32xf32>
    %dot_general3A_141 = tpu.matmul %mul3A_136, %get3A_139, %dot_general3A_140 {dimension_numbers = #tpu.dot_dimension_numbers<[1], [0], [0], [1], [0, 0, 1, 1], [], []>, transpose_lhs_hint = false} : vector<8000x64xf32>, vector<64x32xf32>, vector<8000x32xf32> -> vector<8000x32xf32>
    %get3A_142 = arith.constant 0 : index
    %get3A_143 = arith.constant 0 : index
    %get3A_144 = vector.load %arg20[%get3A_142, %get3A_143] : memref<1x32xf32, #tpu.memory_space<vmem>>, vector<1x32xf32>
    %add3A_145 = vector.broadcast %get3A_144 : vector<1x32xf32> to vector<8000x32xf32>
    %add3A_146 = arith.addf %dot_general3A_141, %add3A_145 : vector<8000x32xf32>
    %broadcast_in_dim3A_147 = arith.constant 0.000000e+00 : f32
    %broadcast_in_dim3A_148 = vector.broadcast %broadcast_in_dim3A_147 : f32 to vector<8000x13xf32>
    %concatenate3A = tpu.concatenate %add3A_146, %add3A_102, %broadcast_in_dim3A_148 in 1 : vector<8000x32xf32>, vector<8000x3xf32>, vector<8000x13xf32> -> vector<8000x48xf32>
    %swap3A = arith.constant 0 : index
    %swap3A_149 = arith.constant 0 : index
    %swap3A_150 = vector.load %arg21[%swap3A, %swap3A_149] : memref<8000x48xf32, #tpu.memory_space<vmem>>, vector<8000x48xf32>
    tpu.vector_store %arg21[%swap3A, %swap3A_149], %concatenate3A {strides = array<i32>} : memref<8000x48xf32, #tpu.memory_space<vmem>>, vector<8000x48xf32>,
    return
  }
  func.func @transform_0(%arg0: i32) -> (i32, i32) {
    %c0_i32 = arith.constant 0 : i32
    %c0_i32_0 = arith.constant 0 : i32
    return %arg0, %c0_i32 : i32, i32
  }
  func.func @transform_1(%arg0: i32) -> (i32, i32) {
    %c0_i32 = arith.constant 0 : i32
    %c0_i32_0 = arith.constant 0 : i32
    %c0_i32_1 = arith.constant 0 : i32
    return %c0_i32, %c0_i32_0 : i32, i32
  }
  func.func @transform_2(%arg0: i32) -> (i32, i32) {
    %c0_i32 = arith.constant 0 : i32
    %c0_i32_0 = arith.constant 0 : i32
    %c0_i32_1 = arith.constant 0 : i32
    return %c0_i32, %c0_i32_0 : i32, i32
  }
  func.func @transform_3(%arg0: i32) -> (i32, i32) {
    %c0_i32 = arith.constant 0 : i32
    %c0_i32_0 = arith.constant 0 : i32
    %c0_i32_1 = arith.constant 0 : i32
    return %c0_i32, %c0_i32_0 : i32, i32
  }
  func.func @transform_4(%arg0: i32) -> (i32, i32) {
    %c0_i32 = arith.constant 0 : i32
    %c0_i32_0 = arith.constant 0 : i32
    %c0_i32_1 = arith.constant 0 : i32
    return %c0_i32, %c0_i32_0 : i32, i32
  }
  func.func @transform_5(%arg0: i32) -> (i32, i32) {
    %c0_i32 = arith.constant 0 : i32
    %c0_i32_0 = arith.constant 0 : i32
    %c0_i32_1 = arith.constant 0 : i32
    return %c0_i32, %c0_i32_0 : i32, i32
  }
  func.func @transform_6(%arg0: i32) -> (i32, i32) {
    %c0_i32 = arith.constant 0 : i32
    %c0_i32_0 = arith.constant 0 : i32
    %c0_i32_1 = arith.constant 0 : i32
    return %c0_i32, %c0_i32_0 : i32, i32
  }
  func.func @transform_7(%arg0: i32) -> (i32, i32) {
    %c0_i32 = arith.constant 0 : i32
    %c0_i32_0 = arith.constant 0 : i32
    %c0_i32_1 = arith.constant 0 : i32
    return %c0_i32, %c0_i32_0 : i32, i32
  }
  func.func @transform_8(%arg0: i32) -> (i32, i32) {
    %c0_i32 = arith.constant 0 : i32
    %c0_i32_0 = arith.constant 0 : i32
    %c0_i32_1 = arith.constant 0 : i32
    return %c0_i32, %c0_i32_0 : i32, i32
  }
  func.func @transform_9(%arg0: i32) -> (i32, i32) {
    %c0_i32 = arith.constant 0 : i32
    %c0_i32_0 = arith.constant 0 : i32
    %c0_i32_1 = arith.constant 0 : i32
    return %c0_i32, %c0_i32_0 : i32, i32
  }
  func.func @transform_10(%arg0: i32) -> (i32, i32) {
    %c0_i32 = arith.constant 0 : i32
    %c0_i32_0 = arith.constant 0 : i32
    %c0_i32_1 = arith.constant 0 : i32
    return %c0_i32, %c0_i32_0 : i32, i32
  }
  func.func @transform_11(%arg0: i32) -> (i32, i32) {
    %c0_i32 = arith.constant 0 : i32
    %c0_i32_0 = arith.constant 0 : i32
    %c0_i32_1 = arith.constant 0 : i32
    return %c0_i32, %c0_i32_0 : i32, i32
  }
  func.func @transform_12(%arg0: i32) -> (i32, i32) {
    %c0_i32 = arith.constant 0 : i32
    %c0_i32_0 = arith.constant 0 : i32
    %c0_i32_1 = arith.constant 0 : i32
    return %c0_i32, %c0_i32_0 : i32, i32
  }
  func.func @transform_13(%arg0: i32) -> (i32, i32) {
    %c0_i32 = arith.constant 0 : i32
    %c0_i32_0 = arith.constant 0 : i32
    %c0_i32_1 = arith.constant 0 : i32
    return %c0_i32, %c0_i32_0 : i32, i32
  }
  func.func @transform_14(%arg0: i32) -> (i32, i32) {
    %c0_i32 = arith.constant 0 : i32
    %c0_i32_0 = arith.constant 0 : i32
    %c0_i32_1 = arith.constant 0 : i32
    return %c0_i32, %c0_i32_0 : i32, i32
  }
  func.func @transform_15(%arg0: i32) -> (i32, i32) {
    %c0_i32 = arith.constant 0 : i32
    %c0_i32_0 = arith.constant 0 : i32
    %c0_i32_1 = arith.constant 0 : i32
    return %c0_i32, %c0_i32_0 : i32, i32
  }
  func.func @transform_16(%arg0: i32) -> (i32, i32) {
    %c0_i32 = arith.constant 0 : i32
    %c0_i32_0 = arith.constant 0 : i32
    %c0_i32_1 = arith.constant 0 : i32
    return %c0_i32, %c0_i32_0 : i32, i32
  }
  func.func @transform_17(%arg0: i32) -> (i32, i32) {
    %c0_i32 = arith.constant 0 : i32
    %c0_i32_0 = arith.constant 0 : i32
    %c0_i32_1 = arith.constant 0 : i32
    return %c0_i32, %c0_i32_0 : i32, i32
  }
  func.func @transform_18(%arg0: i32) -> (i32, i32) {
    %c0_i32 = arith.constant 0 : i32
    %c0_i32_0 = arith.constant 0 : i32
    %c0_i32_1 = arith.constant 0 : i32
    return %c0_i32, %c0_i32_0 : i32, i32
  }
  func.func @transform_19(%arg0: i32) -> (i32, i32) {
    %c0_i32 = arith.constant 0 : i32
    %c0_i32_0 = arith.constant 0 : i32
    %c0_i32_1 = arith.constant 0 : i32
    return %c0_i32, %c0_i32_0 : i32, i32
  }
  func.func @transform_20(%arg0: i32) -> (i32, i32) {
    %c0_i32 = arith.constant 0 : i32
    %c0_i32_0 = arith.constant 0 : i32
    return %arg0, %c0_i32 : i32, i32
  }
}

module attributes {stable_mosaic.version = 14 : i64} {
  func.func @_node_body(%arg0: i32, %arg1: memref<2000x32xf32, #tpu.memory_space<vmem>>, %arg2: memref<2000x32xf32, #tpu.memory_space<vmem>>, %arg3: memref<2000x3xf32, #tpu.memory_space<vmem>>, %arg4: memref<2000x3xf32, #tpu.memory_space<vmem>>, %arg5: memref<32x64xf32, #tpu.memory_space<vmem>>, %arg6: memref<1x64xf32, #tpu.memory_space<vmem>>, %arg7: memref<64x64xf32, #tpu.memory_space<vmem>>, %arg8: memref<1x64xf32, #tpu.memory_space<vmem>>, %arg9: memref<64x32xf32, #tpu.memory_space<vmem>>, %arg10: memref<1x32xf32, #tpu.memory_space<vmem>>, %arg11: memref<2000x3xf32, #tpu.memory_space<vmem>>, %arg12: memref<2000x32xf32, #tpu.memory_space<vmem>>) attributes {dimension_semantics = [#tpu.dimension_semantics<arbitrary>], iteration_bounds = array<i64: 50>, scalar_prefetch = 0 : i64, scratch_operands = 0 : i64, tpu.core_type = #tpu.core_type<tc>, window_params = [{transform_indices = @transform_0, window_bounds = array<i64: 2000, 32>}, {transform_indices = @transform_1, window_bounds = array<i64: 2000, 32>}, {transform_indices = @transform_2, window_bounds = array<i64: 2000, 3>}, {transform_indices = @transform_3, window_bounds = array<i64: 2000, 3>}, {pipeline_mode = #tpu.pipeline_mode<synchronous>, transform_indices = @transform_4, window_bounds = array<i64: 32, 64>}, {pipeline_mode = #tpu.pipeline_mode<synchronous>, transform_indices = @transform_5, window_bounds = array<i64: 1, 64>}, {pipeline_mode = #tpu.pipeline_mode<synchronous>, transform_indices = @transform_6, window_bounds = array<i64: 64, 64>}, {pipeline_mode = #tpu.pipeline_mode<synchronous>, transform_indices = @transform_7, window_bounds = array<i64: 1, 64>}, {pipeline_mode = #tpu.pipeline_mode<synchronous>, transform_indices = @transform_8, window_bounds = array<i64: 64, 32>}, {pipeline_mode = #tpu.pipeline_mode<synchronous>, transform_indices = @transform_9, window_bounds = array<i64: 1, 32>}, {transform_indices = @transform_10, window_bounds = array<i64: 2000, 3>}, {transform_indices = @transform_11, window_bounds = array<i64: 2000, 32>}]} {
    %get3A = arith.constant 0 : index
    %get3A_0 = arith.constant 0 : index
    %get3A_1 = vector.load %arg1[%get3A, %get3A_0] : memref<2000x32xf32, #tpu.memory_space<vmem>>, vector<2000x32xf32>
    %get3A_2 = arith.constant 0 : index
    %get3A_3 = arith.constant 0 : index
    %get3A_4 = vector.load %arg5[%get3A_2, %get3A_3] : memref<32x64xf32, #tpu.memory_space<vmem>>, vector<32x64xf32>
    %dot_general3A = arith.constant dense<0.000000e+00> : vector<2000x64xf32>
    %dot_general3A_5 = tpu.matmul %get3A_1, %get3A_4, %dot_general3A {dimension_numbers = #tpu.dot_dimension_numbers<[1], [0], [0], [1], [0, 0, 1, 1], [], []>, transpose_lhs_hint = false} : vector<2000x32xf32>, vector<32x64xf32>, vector<2000x64xf32> -> vector<2000x64xf32>
    %get3A_6 = arith.constant 0 : index
    %get3A_7 = arith.constant 0 : index
    %get3A_8 = vector.load %arg6[%get3A_6, %get3A_7] : memref<1x64xf32, #tpu.memory_space<vmem>>, vector<1x64xf32>
    %add3A = vector.broadcast %get3A_8 : vector<1x64xf32> to vector<2000x64xf32>
    %add3A_9 = arith.addf %dot_general3A_5, %add3A : vector<2000x64xf32>
    %logistic3A = arith.negf %add3A_9 : vector<2000x64xf32>
    %logistic3A_10 = math.exp %logistic3A : vector<2000x64xf32>
    %logistic3A_11 = arith.constant 1.000000e+00 : f32
    %logistic3A_12 = vector.broadcast %logistic3A_11 : f32 to vector<2000x64xf32>
    %logistic3A_13 = arith.addf %logistic3A_12, %logistic3A_10 : vector<2000x64xf32>
    %logistic3A_14 = arith.divf %logistic3A_12, %logistic3A_13 : vector<2000x64xf32>
    %mul3A = arith.mulf %add3A_9, %logistic3A_14 : vector<2000x64xf32>
    %get3A_15 = arith.constant 0 : index
    %get3A_16 = arith.constant 0 : index
    %get3A_17 = vector.load %arg7[%get3A_15, %get3A_16] : memref<64x64xf32, #tpu.memory_space<vmem>>, vector<64x64xf32>
    %dot_general3A_18 = arith.constant dense<0.000000e+00> : vector<2000x64xf32>
    %dot_general3A_19 = tpu.matmul %mul3A, %get3A_17, %dot_general3A_18 {dimension_numbers = #tpu.dot_dimension_numbers<[1], [0], [0], [1], [0, 0, 1, 1], [], []>, transpose_lhs_hint = false} : vector<2000x64xf32>, vector<64x64xf32>, vector<2000x64xf32> -> vector<2000x64xf32>
    %get3A_20 = arith.constant 0 : index
    %get3A_21 = arith.constant 0 : index
    %get3A_22 = vector.load %arg8[%get3A_20, %get3A_21] : memref<1x64xf32, #tpu.memory_space<vmem>>, vector<1x64xf32>
    %add3A_23 = vector.broadcast %get3A_22 : vector<1x64xf32> to vector<2000x64xf32>
    %add3A_24 = arith.addf %dot_general3A_19, %add3A_23 : vector<2000x64xf32>
    %logistic3A_25 = arith.negf %add3A_24 : vector<2000x64xf32>
    %logistic3A_26 = math.exp %logistic3A_25 : vector<2000x64xf32>
    %logistic3A_27 = arith.constant 1.000000e+00 : f32
    %logistic3A_28 = vector.broadcast %logistic3A_27 : f32 to vector<2000x64xf32>
    %logistic3A_29 = arith.addf %logistic3A_28, %logistic3A_26 : vector<2000x64xf32>
    %logistic3A_30 = arith.divf %logistic3A_28, %logistic3A_29 : vector<2000x64xf32>
    %mul3A_31 = arith.mulf %add3A_24, %logistic3A_30 : vector<2000x64xf32>
    %get3A_32 = arith.constant 0 : index
    %get3A_33 = arith.constant 0 : index
    %get3A_34 = vector.load %arg9[%get3A_32, %get3A_33] : memref<64x32xf32, #tpu.memory_space<vmem>>, vector<64x32xf32>
    %dot_general3A_35 = arith.constant dense<0.000000e+00> : vector<2000x32xf32>
    %dot_general3A_36 = tpu.matmul %mul3A_31, %get3A_34, %dot_general3A_35 {dimension_numbers = #tpu.dot_dimension_numbers<[1], [0], [0], [1], [0, 0, 1, 1], [], []>, transpose_lhs_hint = false} : vector<2000x64xf32>, vector<64x32xf32>, vector<2000x32xf32> -> vector<2000x32xf32>
    %get3A_37 = arith.constant 0 : index
    %get3A_38 = arith.constant 0 : index
    %get3A_39 = vector.load %arg10[%get3A_37, %get3A_38] : memref<1x32xf32, #tpu.memory_space<vmem>>, vector<1x32xf32>
    %add3A_40 = vector.broadcast %get3A_39 : vector<1x32xf32> to vector<2000x32xf32>
    %add3A_41 = arith.addf %dot_general3A_36, %add3A_40 : vector<2000x32xf32>
    %get3A_42 = arith.constant 0 : index
    %get3A_43 = arith.constant 0 : index
    %get3A_44 = vector.load %arg2[%get3A_42, %get3A_43] : memref<2000x32xf32, #tpu.memory_space<vmem>>, vector<2000x32xf32>
    %add3A_45 = arith.addf %add3A_41, %get3A_44 : vector<2000x32xf32>
    %swap3A = arith.constant 0 : index
    %swap3A_46 = arith.constant 0 : index
    %swap3A_47 = vector.load %arg12[%swap3A, %swap3A_46] : memref<2000x32xf32, #tpu.memory_space<vmem>>, vector<2000x32xf32>
    tpu.vector_store %arg12[%swap3A, %swap3A_46], %add3A_45 {strides = array<i32>} : memref<2000x32xf32, #tpu.memory_space<vmem>>, vector<2000x32xf32>,
    %get3A_48 = arith.constant 0 : index
    %get3A_49 = arith.constant 0 : index
    %get3A_50 = vector.load %arg4[%get3A_48, %get3A_49] : memref<2000x3xf32, #tpu.memory_space<vmem>>, vector<2000x3xf32>
    %get3A_51 = arith.constant 0 : index
    %get3A_52 = arith.constant 0 : index
    %get3A_53 = vector.load %arg3[%get3A_51, %get3A_52] : memref<2000x3xf32, #tpu.memory_space<vmem>>, vector<2000x3xf32>
    %add3A_54 = arith.addf %get3A_50, %get3A_53 : vector<2000x3xf32>
    %swap3A_55 = arith.constant 0 : index
    %swap3A_56 = arith.constant 0 : index
    %swap3A_57 = vector.load %arg11[%swap3A_55, %swap3A_56] : memref<2000x3xf32, #tpu.memory_space<vmem>>, vector<2000x3xf32>
    tpu.vector_store %arg11[%swap3A_55, %swap3A_56], %add3A_54 {strides = array<i32>} : memref<2000x3xf32, #tpu.memory_space<vmem>>, vector<2000x3xf32>,
    return
  }
  func.func @transform_0(%arg0: i32) -> (i32, i32) {
    %c0_i32 = arith.constant 0 : i32
    %c0_i32_0 = arith.constant 0 : i32
    return %arg0, %c0_i32 : i32, i32
  }
  func.func @transform_1(%arg0: i32) -> (i32, i32) {
    %c0_i32 = arith.constant 0 : i32
    %c0_i32_0 = arith.constant 0 : i32
    return %arg0, %c0_i32 : i32, i32
  }
  func.func @transform_2(%arg0: i32) -> (i32, i32) {
    %c0_i32 = arith.constant 0 : i32
    %c0_i32_0 = arith.constant 0 : i32
    return %arg0, %c0_i32 : i32, i32
  }
  func.func @transform_3(%arg0: i32) -> (i32, i32) {
    %c0_i32 = arith.constant 0 : i32
    %c0_i32_0 = arith.constant 0 : i32
    return %arg0, %c0_i32 : i32, i32
  }
  func.func @transform_4(%arg0: i32) -> (i32, i32) {
    %c0_i32 = arith.constant 0 : i32
    %c0_i32_0 = arith.constant 0 : i32
    %c0_i32_1 = arith.constant 0 : i32
    return %c0_i32, %c0_i32_0 : i32, i32
  }
  func.func @transform_5(%arg0: i32) -> (i32, i32) {
    %c0_i32 = arith.constant 0 : i32
    %c0_i32_0 = arith.constant 0 : i32
    %c0_i32_1 = arith.constant 0 : i32
    return %c0_i32, %c0_i32_0 : i32, i32
  }
  func.func @transform_6(%arg0: i32) -> (i32, i32) {
    %c0_i32 = arith.constant 0 : i32
    %c0_i32_0 = arith.constant 0 : i32
    %c0_i32_1 = arith.constant 0 : i32
    return %c0_i32, %c0_i32_0 : i32, i32
  }
  func.func @transform_7(%arg0: i32) -> (i32, i32) {
    %c0_i32 = arith.constant 0 : i32
    %c0_i32_0 = arith.constant 0 : i32
    %c0_i32_1 = arith.constant 0 : i32
    return %c0_i32, %c0_i32_0 : i32, i32
  }
  func.func @transform_8(%arg0: i32) -> (i32, i32) {
    %c0_i32 = arith.constant 0 : i32
    %c0_i32_0 = arith.constant 0 : i32
    %c0_i32_1 = arith.constant 0 : i32
    return %c0_i32, %c0_i32_0 : i32, i32
  }
  func.func @transform_9(%arg0: i32) -> (i32, i32) {
    %c0_i32 = arith.constant 0 : i32
    %c0_i32_0 = arith.constant 0 : i32
    %c0_i32_1 = arith.constant 0 : i32
    return %c0_i32, %c0_i32_0 : i32, i32
  }
  func.func @transform_10(%arg0: i32) -> (i32, i32) {
    %c0_i32 = arith.constant 0 : i32
    %c0_i32_0 = arith.constant 0 : i32
    return %arg0, %c0_i32 : i32, i32
  }
  func.func @transform_11(%arg0: i32) -> (i32, i32) {
    %c0_i32 = arith.constant 0 : i32
    %c0_i32_0 = arith.constant 0 : i32
    return %arg0, %c0_i32 : i32, i32
  }
}

</mosaic_0001>

<sc_bundles>
// kernel: kernel.6.cloned.1.call-start
scs
__scs_entry_jumppad:
0x0: {  	(pc) =	sbr.rel $0x88, $3  }
0x1: {  	(tag) =	ssettag $0x0;
	lr =	simm.s32 $0x1  }
0x2: {  	[smem:$0x3F85] =	sst lr;
	_ =	strace $0xD0000000  }
0x3: {  	_ = 	snop  }
0x4: {  	_ = 	snop  }
0x5: {  	_ = 	snop  }
0x6: {  	_ = 	snop  }
0x7: {  	_ = 	snop  }
__scs_overlays_trampoline_lowered:
0x8: {  	[smem:$0x3F94] =	sst s0  }
0x9: {  	[smem:$0x3F95] =	sst s1  }
0xa: {  	[smem:$0x3F96] =	sst s2  }
0xb: {  	[smem:$0x3F97] =	sst s3  }
0xc: {  	[smem:$0x3F98] =	sst s4  }
0xd: {  	[smem:$0x3F99] =	sst s5  }
0xe: {  	[smem:$0x3F9A] =	sst s6  }
0xf: {  	[smem:$0x3F9B] =	sst s7  }
0x10: {  	[smem:$0x3F9C] =	sst s8  }
0x11: {  	[smem:$0x3F9D] =	sst s9;
	s0 =	simm.s32 @!p0 $0x0  }
0x12: {  	s1 =	sld [smem:$0x3F83];
	s0 =	simm.s32 @p0 $0x1  }
0x13: {  	[smem:$0x3F9E] =	sst s0;
	s0 =	simm.s32 @!p1 $0x0  }
0x14: {  	s2 =	sld [smem:$0x3F82];
	s0 =	simm.s32 @p1 $0x1  }
0x15: {  	[smem:$0x3F9F] =	sst s0;
	s0 =	simm.s32 @!p2 $0x0  }
0x16: {  	s3 =	sld [smem:$0x3FDB];
	s0 =	simm.s32 @p2 $0x1  }
0x17: {  	s4 =	simm.s32 $0x1BF5;
	[smem:$0x3FA1] =	sst s0  }
0x18: {  	s0 =	sld [smem:$0x3F84];
	_ =	swait.ge [sflag:s4], $0x0  }
0x19: {  	s7 =	sld [smem:$0x3F85]  }
0x1a: {  	s8 =	sadd.s32 $0xFFFFE003, lr  }
0x1b: {  	s9 =	sadd.s32 $0xFFFFFEF7, lr;
	s5 =	simm.s32 $0xFFFFFFFF;
	p2 =	slt.u32 s8, $0xFFFFF086  }
0x1c: {  	p1 =	slt.u32 s9, $0xF7A;
	s5 =	simm.s32 @!p2 $0x0  }
0x1d: {  	s5 =	simm.s32 @p1 $0x1;
	p0 =	seq.s32 s7, s2  }
0x1e: {  	s7 =	smul.u32 @!p0 $0xF7A, s2;
	p2 =	seq.s32 @!p0 s5, $0x0  }
0x1f: {  	s9 =	smul.u32 $0xF7A, s1;
	s8 =	simm.s32 @!p0 $0x1BF5;
	p2 =	por !p2, p0  }
0x20: {  	[sflag:s8] =	ssyncset.s32 @!p0 $0xFFFFF086;
	s6 =	sadd.s32 @!p0 s3, s7;
	s7 =	simm.s32 @!p0 $0x108  }
0x21: {  	s3 =	sadd.s32 s3, s9;
	s6 =	sadd.s32 @!p0 $0x88, s6;
	s7 =	simm.s32 @p2 $0x1082  }
0x22: {  	[simem:s7], [sflag:s8] =	dma.local @!p0 [hbm:s6], $0xF7A  }
0x23: {  	s9 =	sor.u32 $0xD0000000, s2;
	s6 =	simm.s32 $0x108;
	_ =	swait.ge @!p0 [sflag:s8], $0x0  }
0x24: {  	s3 =	sadd.s32 $0x88, s3;
	s6 =	simm.s32 @!p1 $0x1082;
	[sflag:s4] =	ssyncset.s32 $0xFFFFF086  }
0x25: {  	[simem:s6], [sflag:s4] =	dma.local [hbm:s3], $0xF7A  }
0x26: {  	[smem:$0x3F85] =	sst s1;
	(tag) =	ssettag s2;
	_ =	strace s9  }
0x27: {  	s1 =	sld [smem:$0x3F95]  }
0x28: {  	s2 =	sld [smem:$0x3F96]  }
0x29: {  	s4 =	sld [smem:$0x3F98]  }
0x2a: {  	p0 =	seq.s32 s5, $0x0;
	s5 =	sld [smem:$0x3F99]  }
0x2b: {  	s6 =	sld [smem:$0x3F9A]  }
0x2c: {  	s7 =	sld [smem:$0x3F9B]  }
0x2d: {  	s3 =	simm.s32 $0x108;
	s8 =	sld [smem:$0x3F9C]  }
0x2e: {  	s3 =	simm.s32 @!p0 $0x1082;
	s9 =	sld [smem:$0x3F9D]  }
0x2f: {  	lr =	sadd.s32 s0, s3;
	s0 =	sld [smem:$0x3F94]  }
0x30: {  	s3 =	sld [smem:$0x3F97]  }
0x31: {  	[smem:$0x3FA0] =	sst s10  }
0x32: {  	s10 =	sld [smem:$0x3F9E];
	_ =	sdelay $0x3  }
0x33: {  	p0 =	seq.s32 s10, $0x1;
	s10 =	sld [smem:$0x3FA0];
	_ =	sdelay $0x3  }
0x34: {  	[smem:$0x3FA0] =	sst s10  }
0x35: {  	s10 =	sld [smem:$0x3F9F];
	_ =	sdelay $0x3  }
0x36: {  	p1 =	seq.s32 s10, $0x1;
	s10 =	sld [smem:$0x3FA0];
	_ =	sdelay $0x3  }
0x37: {  	[smem:$0x3FA0] =	sst s10  }
0x38: {  	s10 =	sld [smem:$0x3FA1]  }
0x39: {  	_ = 	snop;
	(pc) =	sbr.ind lr, $3  }
0x3a: {  	_ = 	snop  }
0x3b: {  	_ = 	snop  }
0x3c: {  	p2 =	seq.s32 s10, $0x1;
	s10 =	sld [smem:$0x3FA0]  }
0x3d: {  	_ =	shalt  }
0x3e: {  	_ =	shalt  }
0x3f: {  	_ =	shalt  }
0x40: {  	_ =	shalt  }
0x41: {  	_ =	shalt  }
0x42: {  	_ =	shalt  }
0x43: {  	_ =	shalt  }
0x44: {  	_ =	shalt  }
0x45: {  	_ =	shalt  }
0x46: {  	_ =	shalt  }
0x47: {  	_ =	shalt  }
0x48: {  	_ =	shalt  }
0x49: {  	_ =	shalt  }
0x4a: {  	_ =	shalt  }
0x4b: {  	_ =	shalt  }
0x4c: {  	_ =	shalt  }
0x4d: {  	_ =	shalt  }
0x4e: {  	_ =	shalt  }
0x4f: {  	_ =	shalt  }
0x50: {  	_ =	shalt  }
0x51: {  	_ =	shalt  }
0x52: {  	_ =	shalt  }
0x53: {  	_ =	shalt  }
0x54: {  	_ =	shalt  }
0x55: {  	_ =	shalt  }
0x56: {  	_ =	shalt  }
0x57: {  	_ =	shalt  }
0x58: {  	_ =	shalt  }
0x59: {  	_ =	shalt  }
0x5a: {  	_ =	shalt  }
0x5b: {  	_ =	shalt  }
0x5c: {  	_ =	shalt  }
0x5d: {  	_ =	shalt  }
0x5e: {  	_ =	shalt  }
0x5f: {  	_ =	shalt  }
0x60: {  	_ =	shalt  }
0x61: {  	_ =	shalt  }
0x62: {  	_ =	shalt  }
0x63: {  	_ =	shalt  }
0x64: {  	_ =	shalt  }
0x65: {  	_ =	shalt  }
0x66: {  	_ =	shalt  }
0x67: {  	_ =	shalt  }
0x68: {  	_ =	shalt  }
0x69: {  	_ =	shalt  }
0x6a: {  	_ =	shalt  }
0x6b: {  	_ =	shalt  }
0x6c: {  	_ =	shalt  }
0x6d: {  	_ =	shalt  }
0x6e: {  	_ =	shalt  }
0x6f: {  	_ =	shalt  }
0x70: {  	_ =	shalt  }
0x71: {  	_ =	shalt  }
0x72: {  	_ =	shalt  }
0x73: {  	_ =	shalt  }
0x74: {  	_ =	shalt  }
0x75: {  	_ =	shalt  }
0x76: {  	_ =	shalt  }
0x77: {  	_ =	shalt  }
0x78: {  	_ =	shalt  }
0x79: {  	_ =	shalt  }
0x7a: {  	_ =	shalt  }
0x7b: {  	_ =	shalt  }
0x7c: {  	_ =	shalt  }
0x7d: {  	_ =	shalt  }
0x7e: {  	_ =	shalt  }
0x7f: {  	_ =	shalt  }
0x80: {  	_ =	shalt  }
0x81: {  	_ =	shalt  }
0x82: {  	_ =	shalt  }
0x83: {  	_ =	shalt  }
0x84: {  	_ =	shalt  }
0x85: {  	_ =	shalt  }
0x86: {  	_ =	shalt  }
0x87: {  	_ =	shalt  }
.Lfunc_end0:
.L_simem_size_0:
called_computation_lowered:
.L_overlay_start_0:
0x88: {  	s2 =	sld [smem:$0x3FD9]  }
0x89: {  	s3 =	sld [smem:$0x3FFE];
	_ =	sdelay $0x1  }
0x8a: {  	s1 =	srdreg.scid  }
0x8b: {  	s0 =	sand.u32 $0x1, s1  }
0x8c: {  	s14 =	sshll.u32 s0, $0xA;
	s2 =	sadd.s32 s3, s2  }
0x8d: {  	s2 =	sadd.s32 s2, s14  }
0x8e: {  	[smem:$0x3FAC] =	sst s2  }
0x8f: {  	_ = 	snop  }
0x90: {  	s2 =	sld [smem:$0x3FD0];
	_ =	sdelay $0x2  }
0x91: {  	s15 =	simm.s32 $0xA;
	s4 =	simm.s32 $0x10  }
0x92: {  	[smem:s4], [sflag:s15] =	dma.local [hbm:s2], $0x1  }
0x93: {  	_ =	swait.eq [sflag:s15], $0x1  }
0x94: {  	[sflag:s15] =	ssyncset.done $0x0  }
0x95: {  	[sflag:s15] =	ssyncadd.s32 $0xFFFFFFFF  }
0x96: {  	s16 =	sld [smem:$0x11];
	(tm) =	ssettm $0x1  }
0x97: {  	s17 =	sld [smem:$0x3FFB];
	_ =	sdelay $0x3  }
0x98: {  	_ =	strace s17  }
0x99: {  	s3 =	sld [smem:$0x3FFC];
	_ =	sdelay $0x3  }
0x9a: {  	_ =	strace s3  }
0x9b: {  	s3 =	sld [smem:$0x3FFD];
	_ =	sdelay $0x3  }
0x9c: {  	_ =	strace s3  }
0x9d: {  	_ =	strace $0x8FFFFFFF  }
0x9e: {  	s18 =	sld [smem:$0x3FDB];
	_ =	sdelay $0x1  }
0x9f: {  	s19 =	simm.s32 $_scs_section_size  }
0xa0: {  	s5 =	simm.s32 $_size__tile_overlayer_lowered;
	s6 =	simm.s32 $_tile_overlayer_lowered  }
0xa1: {  	s22 =	simm.s32 $0x1BFF;
	s21 =	sshll.u32 s6, $0x1;
	s3 =	sadd.s32 s19, s18  }
0xa2: {  	s7 =	simm.s32 $0x0;
	s20 =	sshll.u32 s5, $0x1;
	s5 =	sadd.s32 s21, s3  }
0xa3: {  	[timem:s7], [sflag:s22] =	dma.local [hbm:s5], s20  }
0xa4: {  	_ =	swait.ge [sflag:s22], s20  }
0xa5: {  	s4 =	ssub.s32 $0x0, s20;
	[sflag:s22] =	ssyncset.done $0x0  }
0xa6: {  	[sflag:s22] =	ssyncadd.s32 s4;
	_ =	sdelay $0x1  }
0xa7: {  	s23 =	simm.s32 $0x1B8B  }
0xa8: {  	_ =	swait.ge [sflag:s23], $0x1  }
0xa9: {  	[sflag:s23] =	ssyncset.done $0x0  }
0xaa: {  	s25 =	simm.s32 $0x1B8E;
	s24 =	sld [smem:$0x3FFE];
	[sflag:s23] =	ssyncadd.s32 $0xFFFFFFFF  }
0xab: {  	s26 =	simm.s32 $execute0_lowered;
	[smem:$0x3FD2] =	sst s25  }
0xac: {  	s5 =	sshll.u32 s26, $0x1;
	_ =	strace $0x80000046;
	[dreg:$0x1] =	wrdreg $0xFFFFFFFF  }
0xad: {  	s28 =	simm.s32 $_size_execute0_lowered;
	s3 =	sadd.s32 s3, s5;
	[dreg:$0x0] =	wrdreg $0x0  }
0xae: {  	s5 =	sshll.u32 s28, $0x1;
	[dreg:$0x2] =	wrdreg s3  }
0xaf: {  	[dreg:$0x3] =	wrdreg s5  }
0xb0: {  	[dreg:$0x4] =	wrdreg $0xC0  }
0xb1: {  	_ =	task [dreg:s7], $0x5FFFF  }
0xb2: {  	[dreg:$0x1] =	wrdreg $0xFFFFFFFF  }
0xb3: {  	[dreg:$0x0] =	wrdreg $0x60  }
0xb4: {  	[dreg:$0x2] =	wrdreg s24  }
0xb5: {  	[dreg:$0x3] =	wrdreg s16  }
0xb6: {  	[dreg:$0x4] =	wrdreg $0x9  }
0xb7: {  	_ =	task.clear_ibuf [dreg:s7], $0x5FFFF;
	_ =	strace $0x90000046  }
0xb8: {  	s29 =	simm.s32 $0x9;
	_ =	strace $0x80000048  }
0xb9: {  	_ =	swait.ge [sflag:s29], $0x1  }
0xba: {  	[sflag:s29] =	ssyncadd.s32 $0xFFFFFFFF  }
0xbb: {  	_ =	strace $0x90000048  }
0xbc: {  	_ =	sfence  }
0xbd: {  	s30 =	sld [smem:$0x0];
	_ =	sdelay $0x2  }
0xbe: {  	s31 =	sshll.u32 s1, $0xD;
	s1 =	sshrl.u32 s1, $0x2  }
0xbf: {  	s3 =	sand.u32 $0x4000, s31;
	s1 =	sadd.s32 s1, s30  }
0xc0: {  	s0 =	sor.u32 s3, s0;
	s1 =	sshll.u32 s1, $0x11  }
0xc1: {  	s0 =	sor.u32 s1, s0  }
0xc2: {  	s0 =	sadd.s32 $0x8F2B, s0  }
0xc3: {  	[sflag:s0] =	ssyncadd.remote.s32 $0x1  }
0xc4: {  	_ =	sfence.sel $0xFFFF  }
0xc5: {  	[dreg:$0x0] =	wrdreg $0xFFFFFFFF;
	(pc) =	sbr.abs _section_cstart, $3  }
0xc6: {  	[dreg:$0x1] =	wrdreg $0xFFFFFFFF  }
0xc7: {  	_ =	task.clear_ibuf [dreg:s7], $0x2FFFF;
	_ =	strace $0x9FFFFFFF  }
0xc8: {  	(tm) =	ssettm $0x7FFFFFFF  }
0xc9: {  	_ =	shalt  }
tec
execute0_lowered:
.L_overlay_start_1:
0x0: {  	(tag) =	ssettag $0x1  }
0x1: {  	s4 =	rddreg [dreg:$0x0];
	s1 =	srdreg.scid  }
0x2: {  	s0 =	stileid.u32;
	s8 =	rddreg [dreg:$0x1]  }
0x3: {  	s2 =	simm.s32 $0x0;
	s15 =	simm.s32 $0x30;
	s3 =	smul.u32 $0x186A0, s0  }
0x4: {  	s16 =	simm.s32 $0x80;
	s17 =	simm.s32 $0x2;
	s7 =	smul.u32 $0x30D40, s0  }
0x5: {  	s18 =	simm.s32 $0x3;
	s5 =	sand.u32 $0x1, s1;
	s28 =	smul.u32 $0x186A00, s0  }
0x6: {  	s19 =	simm.s32 $0x10;
	s1 =	rddreg [dreg:$0x2];
	s6 =	smul.u32 $0xC350, s5  }
0x7: {  	s20 =	simm.s32 $0x0;
	[smem:$0x7FF] =	sst s2;
	s12 =	smul.u32 $0xC3500, s5  }
0x8: {  	_ =	strace $0x80000047;
	s11 =	ssub.s32 $0x2, s5;
	s14 =	smul.u32 $0x186A0, s5  }
0x9: {  	s13 =	sshrl.u32 s11, $0x1;
	s7 =	sadd.s32 s7, s4;
	s6 =	sadd.s32 s6, s3  }
0xa: {  	s3 =	sadd.s32 $0x1BB200, s4;
	s29 =	ssub.s32 s11, s13;
	s31 =	sadd.s32 s14, s7  }
0xb: {  	s11 =	simm.s32 $0x17ED0;
	s13 =	simm.s32 $0xC350;
	s9 =	sshrl.u32 s6, $0x3  }
0xc: {  	s14 =	simm.s32 $0x1;
	s6 =	sadd.s32 s28, s4;
	s10 =	sadd.s32 s9, s4  }
0xd: {  	s30 =	sadd.s32 s12, s6;
	s4 =	smax.u32 s29, $0x1;
	s6 =	sadd.s32 $0x189E800, s31  }
0xe: {  	s8 =	sadd.s32 s9, s8;
	s9 =	simm.s32 $0x4;
	s12 =	simm.s32 $0x7D0  }
0xf: {  	s5 =	sadd.s32 $0x1BABC00, s30;
	s7 =	sadd.s32 $0x3A00, s10;
	s10 =	simm.s32 $0x3E8  }
.LBB2_1:
0x10: {  	[tilespmem:s2], [sflag:$0x4] =	stream.linear.gather [hbm4b:s8+s2], $0x3E8, $0x38;
	[tilespmem:$0x1BD50] =	vst v63  }
0x11: {  	_ =	swait.ge [sflag:s9], $0x3E8  }
0x12: {  	[sflag:s9] =	ssyncset.done $0x0  }
0x13: {  	[sflag:s9] =	ssyncadd.s32 $0xFFFFFC18  }
0x14: {  	[tilespmem:s10], [sflag:$0x4] =	stream.linear.gather [hbm4b:s7+s2], $0x3E8, $0x38;
	[tilespmem:$0x1BD50] =	vst v63  }
0x15: {  	_ =	swait.ge [sflag:s9], $0x3E8  }
0x16: {  	[sflag:s9] =	ssyncset.done $0x0  }
0x17: {  	[sflag:s9] =	ssyncadd.s32 $0xFFFFFC18  }
0x18: {  	[tilespmem:s11], [sflag:$0x3] =	stream.linear.gather [hbm4b:s6+s2], $0x3E80, $0x38;
	[tilespmem:$0x1BD50] =	vst v63  }
0x19: {  	_ = 	snop  }
0x1a: {  	[tilespmem:s12], [sflag:$0x1] =	stream.indirect.gather [hbm4b:s3+s10], $0x30, s2, s10, $0xb8;
	[tilespmem:$0x1BD50] =	vst v63  }
0x1b: {  	_ = 	snop  }
0x1c: {  	[tilespmem:s13], [sflag:$0x2] =	stream.indirect.gather [hbm4b:s3+s10], $0x30, s10, s10, $0xb8;
	[tilespmem:$0x1BD50] =	vst v63  }
0x1d: {  	_ =	swait.ge [sflag:s14], $0xBB80  }
0x1e: {  	[sflag:s14] =	ssyncset.done $0x0  }
0x1f: {  	s21 =	sadd.s32 $0x0, s5;
	[sflag:s14] =	ssyncadd.s32 $0xFFFF4480  }
0x20: {  	[hbm4b:s21+s15] =	stream.strided.scatter [tilespmem:s12], [sflag:$0x4], $0xBB80, s16, s15, $0x38;
	[tilespmem:$0x1BD50] =	vst v63  }
0x21: {  	_ =	swait.ge [sflag:s9], $0xBB80  }
0x22: {  	[sflag:s9] =	ssyncset.done $0x0  }
0x23: {  	[sflag:s9] =	ssyncadd.s32 $0xFFFF4480  }
0x24: {  	_ =	swait.ge [sflag:s17], $0xBB80  }
0x25: {  	[sflag:s17] =	ssyncset.done $0x0  }
0x26: {  	s22 =	sadd.s32 $0x6, s21;
	[sflag:s17] =	ssyncadd.s32 $0xFFFF4480  }
0x27: {  	[hbm4b:s22+s15] =	stream.strided.scatter [tilespmem:s13], [sflag:$0x4], $0xBB80, s16, s15, $0x38;
	[tilespmem:$0x1BD50] =	vst v63  }
0x28: {  	_ =	swait.ge [sflag:s9], $0xBB80  }
0x29: {  	[sflag:s9] =	ssyncset.done $0x0  }
0x2a: {  	[sflag:s9] =	ssyncadd.s32 $0xFFFF4480  }
0x2b: {  	_ =	swait.ge [sflag:s18], $0x3E80  }
0x2c: {  	[sflag:s18] =	ssyncset.done $0x0  }
0x2d: {  	s21 =	sadd.s32 $0xC, s21;
	[sflag:s18] =	ssyncadd.s32 $0xFFFFC180  }
0x2e: {  	[hbm4b:s21+s19] =	stream.strided.scatter [tilespmem:s11], [sflag:$0x4], $0x3E80, s16, s19, $0x38;
	[tilespmem:$0x1BD50] =	vst v63  }
0x2f: {  	s23 =	smov.u32 s6;
	s24 =	smov.u32 s7;
	_ =	swait.ge [sflag:s9], $0x3E80  }
0x30: {  	s22 =	sadd.s32 $0x7D, s8;
	s21 =	simm.s32 $0x3E80;
	[sflag:s9] =	ssyncset.done $0x0  }
.LBB2_2:
0x31: {  	[sflag:s9] =	ssyncadd.s32 $0xFFFFC180  }
0x32: {  	s23 =	sadd.s32 $0x7D0, s23;
	s24 =	sadd.s32 $0x7D, s24;
	s25 =	smov.u32 s21  }
0x33: {  	[tilespmem:s2], [sflag:$0x4] =	stream.linear.gather [hbm4b:s22+s2], $0x3E8, $0x38;
	[tilespmem:$0x1BD50] =	vst v63  }
0x34: {  	p0 =	sne.s32 s21, $0xBF680;
	s21 =	sadd.s32 $0x3E80, s21;
	_ =	swait.ge [sflag:s9], $0x3E8  }
0x35: {  	[sflag:s9] =	ssyncset.done $0x0  }
0x36: {  	[sflag:s9] =	ssyncadd.s32 $0xFFFFFC18  }
0x37: {  	[tilespmem:s10], [sflag:$0x4] =	stream.linear.gather [hbm4b:s24+s2], $0x3E8, $0x38;
	[tilespmem:$0x1BD50] =	vst v63  }
0x38: {  	_ =	swait.ge [sflag:s9], $0x3E8  }
0x39: {  	[sflag:s9] =	ssyncset.done $0x0  }
0x3a: {  	[sflag:s9] =	ssyncadd.s32 $0xFFFFFC18  }
0x3b: {  	[tilespmem:s11], [sflag:$0x3] =	stream.linear.gather [hbm4b:s23+s2], $0x3E80, $0x38;
	[tilespmem:$0x1BD50] =	vst v63  }
0x3c: {  	_ = 	snop  }
0x3d: {  	[tilespmem:s12], [sflag:$0x1] =	stream.indirect.gather [hbm4b:s3+s10], $0x30, s2, s10, $0xb8;
	[tilespmem:$0x1BD50] =	vst v63  }
0x3e: {  	_ = 	snop  }
0x3f: {  	[tilespmem:s13], [sflag:$0x2] =	stream.indirect.gather [hbm4b:s3+s10], $0x30, s10, s10, $0xb8;
	[tilespmem:$0x1BD50] =	vst v63  }
0x40: {  	_ =	swait.ge [sflag:s14], $0xBB80  }
0x41: {  	[sflag:s14] =	ssyncset.done $0x0  }
0x42: {  	s25 =	sadd.s32 s25, s5;
	[sflag:s14] =	ssyncadd.s32 $0xFFFF4480  }
0x43: {  	[hbm4b:s25+s15] =	stream.strided.scatter [tilespmem:s12], [sflag:$0x4], $0xBB80, s16, s15, $0x38;
	[tilespmem:$0x1BD50] =	vst v63  }
0x44: {  	_ =	swait.ge [sflag:s9], $0xBB80  }
0x45: {  	[sflag:s9] =	ssyncset.done $0x0  }
0x46: {  	[sflag:s9] =	ssyncadd.s32 $0xFFFF4480  }
0x47: {  	_ =	swait.ge [sflag:s17], $0xBB80  }
0x48: {  	[sflag:s17] =	ssyncset.done $0x0  }
0x49: {  	s26 =	sadd.s32 $0x6, s25;
	[sflag:s17] =	ssyncadd.s32 $0xFFFF4480  }
0x4a: {  	[hbm4b:s26+s15] =	stream.strided.scatter [tilespmem:s13], [sflag:$0x4], $0xBB80, s16, s15, $0x38;
	[tilespmem:$0x1BD50] =	vst v63  }
0x4b: {  	_ =	swait.ge [sflag:s9], $0xBB80  }
0x4c: {  	[sflag:s9] =	ssyncset.done $0x0  }
0x4d: {  	[sflag:s9] =	ssyncadd.s32 $0xFFFF4480  }
0x4e: {  	_ =	swait.ge [sflag:s18], $0x3E80  }
.Ltmp0:
0x4f: {  	[sflag:s18] =	ssyncset.done $0x0;
	(pc) =	sbr.rel @p0 .LBB2_2-.Ltmp0, $4  }
0x50: {  	s25 =	sadd.s32 $0xC, s25;
	[sflag:s18] =	ssyncadd.s32 $0xFFFFC180  }
0x51: {  	[hbm4b:s25+s19] =	stream.strided.scatter [tilespmem:s11], [sflag:$0x4], $0x3E80, s16, s19, $0x38;
	[tilespmem:$0x1BD50] =	vst v63  }
0x52: {  	_ =	swait.ge [sflag:s9], $0x3E80  }
0x53: {  	s22 =	sadd.s32 $0x7D, s22;
	[sflag:s9] =	ssyncset.done $0x0  }
0x54: {  	s20 =	sadd.s32 $0x1, s20  }
0x55: {  	p0 =	sne.s32 s20, s4  }
.Ltmp1:
0x56: {  	_ = 	snop;
	(pc) =	sbr.rel @p0 .LBB2_1-.Ltmp1, $2  }
0x57: {  	_ =	sdelay $0x2  }
0x58: {  	[sflag:s9] =	ssyncadd.s32 $0xFFFFC180  }
0x59: {  	_ =	sfence.sel $0x180000  }
0x5a: {  	[bflag:$0x0] =	sbarrier.arrive $0xFFFF  }
0x5b: {  	p0 =	sne.s32 s0, $0x0;
	_ =	strace $0x90000047  }
0x5c: {  	s0 =	sadd.s32 @!p0 $0x100000, s1;
	[bflag:$0x2] =	sbarrier.arrive $0xFFFF  }
0x5d: {  	[sflag:s0] =	ssyncadd.tile.s32 @!p0 $0x1;
	_ =	shalt  }
.Lfunc_end2:
_tile_overlayer_lowered:
.L_overlay_start_2:
0x5e: {  	(tag) =	ssettag $0x2  }
0x5f: {  	s0 =	rddreg [dreg:$0x0];
	s2 =	stileid.u32  }
0x60: {  	s1 =	rddreg [dreg:$0x1];
	p0 =	sne.s32 s2, $0x0  }
0x61: {  	s3 =	rddreg [dreg:$0x2];
	[bflag:$0x3] =	sbarrier.arrive $0xFFFF;
	s2 =	simm.s32 @!p0 $0x1C04  }
0x62: {  	[timem:s3], [sflag:s2] =	dma.local @!p0 [hbm:s0], s1  }
0x63: {  	s0 =	simm.s32 @!p0 $0x4  }
0x64: {  	_ =	swait.ge @!p0 [sflag:s0], s1  }
0x65: {  	s1 =	ssub.s32 @!p0 $0x0, s1;
	[sflag:s0] =	ssyncset.done @!p0 $0x0  }
0x66: {  	[sflag:s0] =	ssyncadd.s32 @!p0 s1  }
0x67: {  	[bflag:$0x3] =	sbarrier.arrive $0xFFFF  }
0x68: {  	_ =	shalt  }

// kernel: kernel.9.cloned.1.call-start
scs
__scs_entry_jumppad:
0x0: {  	(pc) =	sbr.rel $0x88, $3  }
0x1: {  	(tag) =	ssettag $0x0;
	lr =	simm.s32 $0x1  }
0x2: {  	[smem:$0x3F85] =	sst lr;
	_ =	strace $0xD0000000  }
0x3: {  	_ = 	snop  }
0x4: {  	_ = 	snop  }
0x5: {  	_ = 	snop  }
0x6: {  	_ = 	snop  }
0x7: {  	_ = 	snop  }
__scs_overlays_trampoline_lowered:
0x8: {  	[smem:$0x3F94] =	sst s0  }
0x9: {  	[smem:$0x3F95] =	sst s1  }
0xa: {  	[smem:$0x3F96] =	sst s2  }
0xb: {  	[smem:$0x3F97] =	sst s3  }
0xc: {  	[smem:$0x3F98] =	sst s4  }
0xd: {  	[smem:$0x3F99] =	sst s5  }
0xe: {  	[smem:$0x3F9A] =	sst s6  }
0xf: {  	[smem:$0x3F9B] =	sst s7  }
0x10: {  	[smem:$0x3F9C] =	sst s8  }
0x11: {  	[smem:$0x3F9D] =	sst s9;
	s0 =	simm.s32 @!p0 $0x0  }
0x12: {  	s1 =	sld [smem:$0x3F83];
	s0 =	simm.s32 @p0 $0x1  }
0x13: {  	[smem:$0x3F9E] =	sst s0;
	s0 =	simm.s32 @!p1 $0x0  }
0x14: {  	s2 =	sld [smem:$0x3F82];
	s0 =	simm.s32 @p1 $0x1  }
0x15: {  	[smem:$0x3F9F] =	sst s0;
	s0 =	simm.s32 @!p2 $0x0  }
0x16: {  	s3 =	sld [smem:$0x3FDB];
	s0 =	simm.s32 @p2 $0x1  }
0x17: {  	s4 =	simm.s32 $0x1BF5;
	[smem:$0x3FA1] =	sst s0  }
0x18: {  	s0 =	sld [smem:$0x3F84];
	_ =	swait.ge [sflag:s4], $0x0  }
0x19: {  	s7 =	sld [smem:$0x3F85]  }
0x1a: {  	s8 =	sadd.s32 $0xFFFFE003, lr  }
0x1b: {  	s9 =	sadd.s32 $0xFFFFFEF7, lr;
	s5 =	simm.s32 $0xFFFFFFFF;
	p2 =	slt.u32 s8, $0xFFFFF086  }
0x1c: {  	p1 =	slt.u32 s9, $0xF7A;
	s5 =	simm.s32 @!p2 $0x0  }
0x1d: {  	s5 =	simm.s32 @p1 $0x1;
	p0 =	seq.s32 s7, s2  }
0x1e: {  	s7 =	smul.u32 @!p0 $0xF7A, s2;
	p2 =	seq.s32 @!p0 s5, $0x0  }
0x1f: {  	s9 =	smul.u32 $0xF7A, s1;
	s8 =	simm.s32 @!p0 $0x1BF5;
	p2 =	por !p2, p0  }
0x20: {  	[sflag:s8] =	ssyncset.s32 @!p0 $0xFFFFF086;
	s6 =	sadd.s32 @!p0 s3, s7;
	s7 =	simm.s32 @!p0 $0x108  }
0x21: {  	s3 =	sadd.s32 s3, s9;
	s6 =	sadd.s32 @!p0 $0x88, s6;
	s7 =	simm.s32 @p2 $0x1082  }
0x22: {  	[simem:s7], [sflag:s8] =	dma.local @!p0 [hbm:s6], $0xF7A  }
0x23: {  	s9 =	sor.u32 $0xD0000000, s2;
	s6 =	simm.s32 $0x108;
	_ =	swait.ge @!p0 [sflag:s8], $0x0  }
0x24: {  	s3 =	sadd.s32 $0x88, s3;
	s6 =	simm.s32 @!p1 $0x1082;
	[sflag:s4] =	ssyncset.s32 $0xFFFFF086  }
0x25: {  	[simem:s6], [sflag:s4] =	dma.local [hbm:s3], $0xF7A  }
0x26: {  	[smem:$0x3F85] =	sst s1;
	(tag) =	ssettag s2;
	_ =	strace s9  }
0x27: {  	s1 =	sld [smem:$0x3F95]  }
0x28: {  	s2 =	sld [smem:$0x3F96]  }
0x29: {  	s4 =	sld [smem:$0x3F98]  }
0x2a: {  	p0 =	seq.s32 s5, $0x0;
	s5 =	sld [smem:$0x3F99]  }
0x2b: {  	s6 =	sld [smem:$0x3F9A]  }
0x2c: {  	s7 =	sld [smem:$0x3F9B]  }
0x2d: {  	s3 =	simm.s32 $0x108;
	s8 =	sld [smem:$0x3F9C]  }
0x2e: {  	s3 =	simm.s32 @!p0 $0x1082;
	s9 =	sld [smem:$0x3F9D]  }
0x2f: {  	lr =	sadd.s32 s0, s3;
	s0 =	sld [smem:$0x3F94]  }
0x30: {  	s3 =	sld [smem:$0x3F97]  }
0x31: {  	[smem:$0x3FA0] =	sst s10  }
0x32: {  	s10 =	sld [smem:$0x3F9E];
	_ =	sdelay $0x3  }
0x33: {  	p0 =	seq.s32 s10, $0x1;
	s10 =	sld [smem:$0x3FA0];
	_ =	sdelay $0x3  }
0x34: {  	[smem:$0x3FA0] =	sst s10  }
0x35: {  	s10 =	sld [smem:$0x3F9F];
	_ =	sdelay $0x3  }
0x36: {  	p1 =	seq.s32 s10, $0x1;
	s10 =	sld [smem:$0x3FA0];
	_ =	sdelay $0x3  }
0x37: {  	[smem:$0x3FA0] =	sst s10  }
0x38: {  	s10 =	sld [smem:$0x3FA1]  }
0x39: {  	_ = 	snop;
	(pc) =	sbr.ind lr, $3  }
0x3a: {  	_ = 	snop  }
0x3b: {  	_ = 	snop  }
0x3c: {  	p2 =	seq.s32 s10, $0x1;
	s10 =	sld [smem:$0x3FA0]  }
0x3d: {  	_ =	shalt  }
0x3e: {  	_ =	shalt  }
0x3f: {  	_ =	shalt  }
0x40: {  	_ =	shalt  }
0x41: {  	_ =	shalt  }
0x42: {  	_ =	shalt  }
0x43: {  	_ =	shalt  }
0x44: {  	_ =	shalt  }
0x45: {  	_ =	shalt  }
0x46: {  	_ =	shalt  }
0x47: {  	_ =	shalt  }
0x48: {  	_ =	shalt  }
0x49: {  	_ =	shalt  }
0x4a: {  	_ =	shalt  }
0x4b: {  	_ =	shalt  }
0x4c: {  	_ =	shalt  }
0x4d: {  	_ =	shalt  }
0x4e: {  	_ =	shalt  }
0x4f: {  	_ =	shalt  }
0x50: {  	_ =	shalt  }
0x51: {  	_ =	shalt  }
0x52: {  	_ =	shalt  }
0x53: {  	_ =	shalt  }
0x54: {  	_ =	shalt  }
0x55: {  	_ =	shalt  }
0x56: {  	_ =	shalt  }
0x57: {  	_ =	shalt  }
0x58: {  	_ =	shalt  }
0x59: {  	_ =	shalt  }
0x5a: {  	_ =	shalt  }
0x5b: {  	_ =	shalt  }
0x5c: {  	_ =	shalt  }
0x5d: {  	_ =	shalt  }
0x5e: {  	_ =	shalt  }
0x5f: {  	_ =	shalt  }
0x60: {  	_ =	shalt  }
0x61: {  	_ =	shalt  }
0x62: {  	_ =	shalt  }
0x63: {  	_ =	shalt  }
0x64: {  	_ =	shalt  }
0x65: {  	_ =	shalt  }
0x66: {  	_ =	shalt  }
0x67: {  	_ =	shalt  }
0x68: {  	_ =	shalt  }
0x69: {  	_ =	shalt  }
0x6a: {  	_ =	shalt  }
0x6b: {  	_ =	shalt  }
0x6c: {  	_ =	shalt  }
0x6d: {  	_ =	shalt  }
0x6e: {  	_ =	shalt  }
0x6f: {  	_ =	shalt  }
0x70: {  	_ =	shalt  }
0x71: {  	_ =	shalt  }
0x72: {  	_ =	shalt  }
0x73: {  	_ =	shalt  }
0x74: {  	_ =	shalt  }
0x75: {  	_ =	shalt  }
0x76: {  	_ =	shalt  }
0x77: {  	_ =	shalt  }
0x78: {  	_ =	shalt  }
0x79: {  	_ =	shalt  }
0x7a: {  	_ =	shalt  }
0x7b: {  	_ =	shalt  }
0x7c: {  	_ =	shalt  }
0x7d: {  	_ =	shalt  }
0x7e: {  	_ =	shalt  }
0x7f: {  	_ =	shalt  }
0x80: {  	_ =	shalt  }
0x81: {  	_ =	shalt  }
0x82: {  	_ =	shalt  }
0x83: {  	_ =	shalt  }
0x84: {  	_ =	shalt  }
0x85: {  	_ =	shalt  }
0x86: {  	_ =	shalt  }
0x87: {  	_ =	shalt  }
.Lfunc_end0:
.L_simem_size_0:
called_computation.1_lowered:
.L_overlay_start_0:
0x88: {  	s2 =	sld [smem:$0x3FD9]  }
0x89: {  	s3 =	sld [smem:$0x3FFE];
	_ =	sdelay $0x1  }
0x8a: {  	s1 =	srdreg.scid  }
0x8b: {  	s0 =	sand.u32 $0x1, s1  }
0x8c: {  	s14 =	sshll.u32 s0, $0xA;
	s2 =	sadd.s32 s3, s2  }
0x8d: {  	s2 =	sadd.s32 s2, s14  }
0x8e: {  	[smem:$0x3FAC] =	sst s2  }
0x8f: {  	_ = 	snop  }
0x90: {  	s2 =	sld [smem:$0x3FD0];
	_ =	sdelay $0x2  }
0x91: {  	s15 =	simm.s32 $0xA;
	s4 =	simm.s32 $0x10  }
0x92: {  	[smem:s4], [sflag:s15] =	dma.local [hbm:s2], $0x1  }
0x93: {  	_ =	swait.eq [sflag:s15], $0x1  }
0x94: {  	[sflag:s15] =	ssyncset.done $0x0  }
0x95: {  	[sflag:s15] =	ssyncadd.s32 $0xFFFFFFFF  }
0x96: {  	s16 =	sld [smem:$0x11];
	(tm) =	ssettm $0x1  }
0x97: {  	s17 =	sld [smem:$0x3FFB];
	_ =	sdelay $0x3  }
0x98: {  	_ =	strace s17  }
0x99: {  	s3 =	sld [smem:$0x3FFC];
	_ =	sdelay $0x3  }
0x9a: {  	_ =	strace s3  }
0x9b: {  	s3 =	sld [smem:$0x3FFD];
	_ =	sdelay $0x3  }
0x9c: {  	_ =	strace s3  }
0x9d: {  	_ =	strace $0x8FFFFFFF  }
0x9e: {  	s18 =	sld [smem:$0x3FDB];
	_ =	sdelay $0x1  }
0x9f: {  	s19 =	simm.s32 $_scs_section_size  }
0xa0: {  	s5 =	simm.s32 $_size__tile_overlayer_lowered;
	s6 =	simm.s32 $_tile_overlayer_lowered  }
0xa1: {  	s22 =	simm.s32 $0x1BFF;
	s21 =	sshll.u32 s6, $0x1;
	s3 =	sadd.s32 s19, s18  }
0xa2: {  	s7 =	simm.s32 $0x0;
	s20 =	sshll.u32 s5, $0x1;
	s5 =	sadd.s32 s21, s3  }
0xa3: {  	[timem:s7], [sflag:s22] =	dma.local [hbm:s5], s20  }
0xa4: {  	_ =	swait.ge [sflag:s22], s20  }
0xa5: {  	s4 =	ssub.s32 $0x0, s20;
	[sflag:s22] =	ssyncset.done $0x0  }
0xa6: {  	[sflag:s22] =	ssyncadd.s32 s4;
	_ =	sdelay $0x1  }
0xa7: {  	s23 =	simm.s32 $0x1B8B  }
0xa8: {  	_ =	swait.ge [sflag:s23], $0x1  }
0xa9: {  	[sflag:s23] =	ssyncset.done $0x0  }
0xaa: {  	s25 =	simm.s32 $0x1B8E;
	s24 =	sld [smem:$0x3FFE];
	[sflag:s23] =	ssyncadd.s32 $0xFFFFFFFF  }
0xab: {  	s26 =	simm.s32 $execute0_lowered;
	[smem:$0x3FD2] =	sst s25  }
0xac: {  	s5 =	sshll.u32 s26, $0x1;
	_ =	strace $0x80000049;
	[dreg:$0x1] =	wrdreg $0xFFFFFFFF  }
0xad: {  	s28 =	simm.s32 $_size_execute0_lowered;
	s3 =	sadd.s32 s3, s5;
	[dreg:$0x0] =	wrdreg $0x0  }
0xae: {  	s5 =	sshll.u32 s28, $0x1;
	[dreg:$0x2] =	wrdreg s3  }
0xaf: {  	[dreg:$0x3] =	wrdreg s5  }
0xb0: {  	[dreg:$0x4] =	wrdreg $0xC0  }
0xb1: {  	_ =	task [dreg:s7], $0x5FFFF  }
0xb2: {  	[dreg:$0x1] =	wrdreg $0xFFFFFFFF  }
0xb3: {  	[dreg:$0x0] =	wrdreg $0x60  }
0xb4: {  	[dreg:$0x2] =	wrdreg s24  }
0xb5: {  	[dreg:$0x3] =	wrdreg s16  }
0xb6: {  	[dreg:$0x4] =	wrdreg $0x42680  }
0xb7: {  	[dreg:$0x5] =	wrdreg $0x9  }
0xb8: {  	_ =	task.clear_ibuf [dreg:s7], $0x6FFFF;
	_ =	strace $0x90000049  }
0xb9: {  	s29 =	simm.s32 $0x9;
	_ =	strace $0x8000004B  }
0xba: {  	_ =	swait.ge [sflag:s29], $0x1  }
0xbb: {  	[sflag:s29] =	ssyncadd.s32 $0xFFFFFFFF  }
0xbc: {  	_ =	strace $0x9000004B  }
0xbd: {  	_ =	sfence  }
0xbe: {  	s30 =	sld [smem:$0x0];
	_ =	sdelay $0x2  }
0xbf: {  	s31 =	sshll.u32 s1, $0xD;
	s1 =	sshrl.u32 s1, $0x2  }
0xc0: {  	s3 =	sand.u32 $0x4000, s31;
	s1 =	sadd.s32 s1, s30  }
0xc1: {  	s0 =	sor.u32 s3, s0;
	s1 =	sshll.u32 s1, $0x11  }
0xc2: {  	s0 =	sor.u32 s1, s0  }
0xc3: {  	s0 =	sadd.s32 $0x8F2B, s0  }
0xc4: {  	[sflag:s0] =	ssyncadd.remote.s32 $0x1  }
0xc5: {  	_ =	sfence.sel $0xFFFF  }
0xc6: {  	[dreg:$0x0] =	wrdreg $0xFFFFFFFF;
	(pc) =	sbr.abs _section_cstart, $3  }
0xc7: {  	[dreg:$0x1] =	wrdreg $0xFFFFFFFF  }
0xc8: {  	_ =	task.clear_ibuf [dreg:s7], $0x2FFFF;
	_ =	strace $0x9FFFFFFF  }
0xc9: {  	(tm) =	ssettm $0x7FFFFFFF  }
tec
execute0_lowered:
.L_overlay_start_1:
0x0: {  	(tag) =	ssettag $0x1  }
0x1: {  	s4 =	rddreg [dreg:$0x0]  }
0x2: {  	s6 =	rddreg [dreg:$0x1];
	s1 =	stileid.u32  }
0x3: {  	s2 =	rddreg [dreg:$0x2];
	s7 =	smul.u32 $0x186A0, s1  }
0x4: {  	s0 =	rddreg [dreg:$0x3];
	s17 =	smul.u32 $0xC350, s1  }
0x5: {  	s5 =	srdreg.scid;
	s3 =	simm.s32 $0x0;
	s26 =	smul.u32 $0x30D4, s1  }
0x6: {  	s8 =	sand.u32 $0x1, s5;
	[smem:$0x7FF] =	sst s3;
	s19 =	smul.u32 $0x493E00, s1  }
0x7: {  	s10 =	sadd.s32 $0x189E800, s4;
	s12 =	sadd.s32 $0x3A00, s4;
	s29 =	smul.u32 $0x493E0, s1  }
0x8: {  	s25 =	sshll.u32 s1, $0x6;
	s5 =	smul.u32 $0x186A00, s8;
	_ =	strace $0x8000004A  }
0x9: {  	s23 =	ssub.s32 $0x2, s8;
	s14 =	smul.u32 $0xC3500, s8;
	s18 =	sshll.u32 s8, $0x4  }
0xa: {  	s28 =	smul.u32 $0x493E00, s8;
	s9 =	sshrl.u32 s7, $0x3;
	s24 =	sshrl.u32 s23, $0x1  }
0xb: {  	s16 =	sadd.s32 s7, s2;
	s30 =	sor.u32 s18, s19;
	s18 =	simm.s32 $0x0  }
0xc: {  	s5 =	sadd.s32 s7, s5;
	s9 =	sadd.s32 s9, s4;
	s15 =	ssub.s32 s23, s24  }
0xd: {  	s14 =	sadd.s32 s17, s14;
	s17 =	simm.s32 $0x3E8;
	s11 =	sshrl.u32 s5, $0x3  }
0xe: {  	s5 =	sor.u32 $0x1C01, s25;
	s8 =	smax.u32 s15, $0x1;
	s15 =	sshrl.u32 s30, $0x3  }
0xf: {  	s31 =	sshrl.u32 s14, $0x3;
	s14 =	simm.s32 $0x1;
	s13 =	sadd.s32 s11, s4  }
0x10: {  	s4 =	sadd.s32 $0x34800, s9;
	s6 =	sadd.s32 s6, s11;
	s9 =	sadd.s32 s26, s12  }
0x11: {  	s11 =	sadd.s32 s28, s10;
	s10 =	sadd.s32 s15, s10;
	s12 =	sadd.s32 s31, s12  }
0x12: {  	s15 =	simm.s32 $0x10;
	s7 =	sadd.s32 $0x65600, s13;
	s11 =	sadd.s32 s29, s11  }
0x13: {  	s13 =	sshrl.u32 s16, $0x3;
	s16 =	simm.s32 $0x30;
	s11 =	sadd.s32 $0x4, s11  }
.LBB2_1:
0x14: {  	[spmem:s13], [sflag:s5] =	dma.local [hbm:s4], $0x30D4  }
0x15: {  	_ =	swait.ge [sflag:s14], $0x30D4  }
0x16: {  	[sflag:s14] =	ssyncset.done $0x0  }
0x17: {  	[sflag:s14] =	ssyncadd.s32 $0xFFFFCF2C  }
0x18: {  	s19 =	sadd.s32 $0x0, s9;
	[bflag:$0x0] =	sbarrier.arrive $0xFFFF  }
0x19: {  	[tilespmem:s3], [sflag:$0x1] =	stream.linear.gather [hbm4b:s19+s3], $0x3E8, $0x38;
	[tilespmem:$0x1C908] =	vst v63  }
0x1a: {  	_ =	swait.ge [sflag:s14], $0x3E8  }
0x1b: {  	[sflag:s14] =	ssyncset.done $0x0  }
0x1c: {  	[sflag:s14] =	ssyncadd.s32 $0xFFFFFC18  }
0x1d: {  	[tilespmem:s17], [sflag:$0x1] =	stream.strided.gather [hbm4b:s10+s15], $0x3E80, s16, s15, $0x38;
	[tilespmem:$0x1C908] =	vst v63  }
0x1e: {  	_ =	swait.ge [sflag:s14], $0x3E80  }
0x1f: {  	[sflag:s14] =	ssyncset.done $0x0  }
0x20: {  	[sflag:s14] =	ssyncadd.s32 $0xFFFFC180  }
0x21: {  	[spmem:s2] =	stream.indirect.scatter.add.f32 [tilespmem:s17], [sflag:$0x1], $0x10, s3, s17, $0xb8;
	[tilespmem:$0x1C908] =	vst v63  }
0x22: {  	s20 =	simm.s32 $0x7D;
	_ =	swait.ge [sflag:s14], $0x3E80  }
0x23: {  	s21 =	simm.s32 $0xFA;
	s19 =	sadd.s32 $0x1770, s10;
	[sflag:s14] =	ssyncset.done $0x0  }
.LBB2_2:
0x24: {  	s22 =	sadd.s32 s20, s9  }
0x25: {  	[sflag:s14] =	ssyncadd.s32 $0xFFFFC180;
	s20 =	smov.u32 s21;
	s23 =	sadd.s32 $0x7D, s21  }
0x26: {  	[tilespmem:s3], [sflag:$0x1] =	stream.linear.gather [hbm4b:s22+s3], $0x3E8, $0x38;
	[tilespmem:$0x1C908] =	vst v63  }
0x27: {  	p0 =	sne.s32 s21, $0x3057;
	_ =	swait.ge [sflag:s14], $0x3E8  }
0x28: {  	[sflag:s14] =	ssyncset.done $0x0  }
0x29: {  	[sflag:s14] =	ssyncadd.s32 $0xFFFFFC18  }
0x2a: {  	[tilespmem:s17], [sflag:$0x1] =	stream.strided.gather [hbm4b:s19+s15], $0x3E80, s16, s15, $0x38;
	[tilespmem:$0x1C908] =	vst v63  }
0x2b: {  	_ =	swait.ge [sflag:s14], $0x3E80  }
.Ltmp0:
0x2c: {  	[sflag:s14] =	ssyncset.done $0x0;
	(pc) =	sbr.rel @p0 .LBB2_2-.Ltmp0, $4  }
0x2d: {  	[sflag:s14] =	ssyncadd.s32 $0xFFFFC180  }
0x2e: {  	[spmem:s2] =	stream.indirect.scatter.add.f32 [tilespmem:s17], [sflag:$0x1], $0x10, s3, s17, $0xb8;
	[tilespmem:$0x1C908] =	vst v63  }
0x2f: {  	_ =	swait.ge [sflag:s14], $0x3E80  }
0x30: {  	s21 =	smov.u32 s23;
	s19 =	sadd.s32 $0x1770, s19;
	[sflag:s14] =	ssyncset.done $0x0  }
0x31: {  	s20 =	sadd.s32 s20, s9;
	[sflag:s14] =	ssyncadd.s32 $0xFFFFC180  }
0x32: {  	[tilespmem:s3], [sflag:$0x1] =	stream.linear.gather [hbm4b:s20+s3], $0x3E8, $0x38;
	[tilespmem:$0x1C908] =	vst v63  }
0x33: {  	_ =	swait.ge [sflag:s14], $0x3E8  }
0x34: {  	[sflag:s14] =	ssyncset.done $0x0  }
0x35: {  	[sflag:s14] =	ssyncadd.s32 $0xFFFFFC18  }
0x36: {  	[tilespmem:s17], [sflag:$0x1] =	stream.strided.gather [hbm4b:s19+s15], $0x3E80, s16, s15, $0x38;
	[tilespmem:$0x1C908] =	vst v63  }
0x37: {  	_ =	swait.ge [sflag:s14], $0x3E80  }
0x38: {  	[sflag:s14] =	ssyncset.done $0x0  }
0x39: {  	[sflag:s14] =	ssyncadd.s32 $0xFFFFC180  }
0x3a: {  	[spmem:s2] =	stream.indirect.scatter.add.f32 [tilespmem:s17], [sflag:$0x1], $0x10, s3, s17, $0xb8;
	[tilespmem:$0x1C908] =	vst v63  }
0x3b: {  	_ =	swait.ge [sflag:s14], $0x3E80  }
0x3c: {  	[sflag:s14] =	ssyncset.done $0x0  }
0x3d: {  	[sflag:s14] =	ssyncadd.s32 $0xFFFFC180  }
0x3e: {  	[bflag:$0x0] =	sbarrier.arrive $0xFFFF  }
0x3f: {  	[hbm:s6], [sflag:s5] =	dma.local [spmem:s13], $0x30D4  }
0x40: {  	_ =	swait.ge [sflag:s14], $0x30D4  }
0x41: {  	[sflag:s14] =	ssyncset.done $0x0  }
0x42: {  	[sflag:s14] =	ssyncadd.s32 $0xFFFFCF2C  }
0x43: {  	[bflag:$0x0] =	sbarrier.arrive $0xFFFF  }
0x44: {  	[spmem:s13], [sflag:s5] =	dma.local [hbm:s4], $0x30D4  }
0x45: {  	_ =	swait.ge [sflag:s14], $0x30D4  }
0x46: {  	[sflag:s14] =	ssyncset.done $0x0  }
0x47: {  	[sflag:s14] =	ssyncadd.s32 $0xFFFFCF2C  }
0x48: {  	s31 =	sadd.s32 $0x0, s12;
	[bflag:$0x0] =	sbarrier.arrive $0xFFFF  }
0x49: {  	[tilespmem:s3], [sflag:$0x1] =	stream.linear.gather [hbm4b:s31+s3], $0x3E8, $0x38;
	[tilespmem:$0x1C908] =	vst v63  }
0x4a: {  	_ =	swait.ge [sflag:s14], $0x3E8  }
0x4b: {  	[sflag:s14] =	ssyncset.done $0x0  }
0x4c: {  	[sflag:s14] =	ssyncadd.s32 $0xFFFFFC18  }
0x4d: {  	[tilespmem:s17], [sflag:$0x1] =	stream.strided.gather [hbm4b:s11+s15], $0x3E80, s16, s15, $0x38;
	[tilespmem:$0x1C908] =	vst v63  }
0x4e: {  	_ =	swait.ge [sflag:s14], $0x3E80  }
0x4f: {  	[sflag:s14] =	ssyncset.done $0x0  }
0x50: {  	[sflag:s14] =	ssyncadd.s32 $0xFFFFC180  }
0x51: {  	[spmem:s2] =	stream.indirect.scatter.add.f32 [tilespmem:s17], [sflag:$0x1], $0x10, s3, s17, $0xb8;
	[tilespmem:$0x1C908] =	vst v63  }
0x52: {  	s21 =	simm.s32 $0xFA;
	_ =	swait.ge [sflag:s14], $0x3E80  }
0x53: {  	s20 =	simm.s32 $0x7D;
	s19 =	sadd.s32 $0x1770, s11;
	[sflag:s14] =	ssyncset.done $0x0  }
.LBB2_4:
0x54: {  	s22 =	sadd.s32 s20, s12  }
0x55: {  	[sflag:s14] =	ssyncadd.s32 $0xFFFFC180;
	s20 =	smov.u32 s21;
	s23 =	sadd.s32 $0x7D, s21  }
0x56: {  	[tilespmem:s3], [sflag:$0x1] =	stream.linear.gather [hbm4b:s22+s3], $0x3E8, $0x38;
	[tilespmem:$0x1C908] =	vst v63  }
0x57: {  	p0 =	sne.s32 s21, $0x17ED;
	_ =	swait.ge [sflag:s14], $0x3E8  }
0x58: {  	[sflag:s14] =	ssyncset.done $0x0  }
0x59: {  	[sflag:s14] =	ssyncadd.s32 $0xFFFFFC18  }
0x5a: {  	[tilespmem:s17], [sflag:$0x1] =	stream.strided.gather [hbm4b:s19+s15], $0x3E80, s16, s15, $0x38;
	[tilespmem:$0x1C908] =	vst v63  }
0x5b: {  	_ =	swait.ge [sflag:s14], $0x3E80  }
.Ltmp1:
0x5c: {  	[sflag:s14] =	ssyncset.done $0x0;
	(pc) =	sbr.rel @p0 .LBB2_4-.Ltmp1, $4  }
0x5d: {  	[sflag:s14] =	ssyncadd.s32 $0xFFFFC180  }
0x5e: {  	[spmem:s2] =	stream.indirect.scatter.add.f32 [tilespmem:s17], [sflag:$0x1], $0x10, s3, s17, $0xb8;
	[tilespmem:$0x1C908] =	vst v63  }
0x5f: {  	_ =	swait.ge [sflag:s14], $0x3E80  }
0x60: {  	s21 =	smov.u32 s23;
	s19 =	sadd.s32 $0x1770, s19;
	[sflag:s14] =	ssyncset.done $0x0  }
0x61: {  	s20 =	sadd.s32 s20, s12;
	[sflag:s14] =	ssyncadd.s32 $0xFFFFC180  }
0x62: {  	[tilespmem:s3], [sflag:$0x1] =	stream.linear.gather [hbm4b:s20+s3], $0x3E8, $0x38;
	[tilespmem:$0x1C908] =	vst v63  }
0x63: {  	_ =	swait.ge [sflag:s14], $0x3E8  }
0x64: {  	[sflag:s14] =	ssyncset.done $0x0  }
0x65: {  	[sflag:s14] =	ssyncadd.s32 $0xFFFFFC18  }
0x66: {  	[tilespmem:s17], [sflag:$0x1] =	stream.strided.gather [hbm4b:s19+s15], $0x3E80, s16, s15, $0x38;
	[tilespmem:$0x1C908] =	vst v63  }
0x67: {  	_ =	swait.ge [sflag:s14], $0x3E80  }
0x68: {  	[sflag:s14] =	ssyncset.done $0x0  }
0x69: {  	[sflag:s14] =	ssyncadd.s32 $0xFFFFC180  }
0x6a: {  	[spmem:s2] =	stream.indirect.scatter.add.f32 [tilespmem:s17], [sflag:$0x1], $0x10, s3, s17, $0xb8;
	[tilespmem:$0x1C908] =	vst v63  }
0x6b: {  	_ =	swait.ge [sflag:s14], $0x3E80  }
0x6c: {  	[sflag:s14] =	ssyncset.done $0x0  }
0x6d: {  	s18 =	sadd.s32 $0x1, s18;
	[sflag:s14] =	ssyncadd.s32 $0xFFFFC180  }
0x6e: {  	p0 =	sne.s32 s18, s8;
	[bflag:$0x0] =	sbarrier.arrive $0xFFFF  }
0x6f: {  	[hbm:s7], [sflag:s5] =	dma.local [spmem:s13], $0x30D4  }
.Ltmp2:
0x70: {  	_ =	swait.ge [sflag:s14], $0x30D4;
	(pc) =	sbr.rel @p0 .LBB2_1-.Ltmp2, $3  }
0x71: {  	[sflag:s14] =	ssyncset.done $0x0  }
0x72: {  	[sflag:s14] =	ssyncadd.s32 $0xFFFFCF2C  }
0x73: {  	[bflag:$0x0] =	sbarrier.arrive $0xFFFF;
	_ =	sdelay $0x1  }
0x74: {  	_ =	sfence.sel $0x180000  }
0x75: {  	[bflag:$0x0] =	sbarrier.arrive $0xFFFF  }
0x76: {  	p0 =	sne.s32 s1, $0x0;
	_ =	strace $0x9000004A  }
0x77: {  	s0 =	sadd.s32 @!p0 $0x100000, s0;
	[bflag:$0x2] =	sbarrier.arrive $0xFFFF  }
0x78: {  	[sflag:s0] =	ssyncadd.tile.s32 @!p0 $0x1;
	_ =	shalt  }
.Lfunc_end2:
_tile_overlayer_lowered:
.L_overlay_start_2:
0x79: {  	(tag) =	ssettag $0x2  }
0x7a: {  	s0 =	rddreg [dreg:$0x0];
	s2 =	stileid.u32  }
0x7b: {  	s1 =	rddreg [dreg:$0x1];
	p0 =	sne.s32 s2, $0x0  }
0x7c: {  	s3 =	rddreg [dreg:$0x2];
	[bflag:$0x3] =	sbarrier.arrive $0xFFFF;
	s2 =	simm.s32 @!p0 $0x1C01  }
0x7d: {  	[timem:s3], [sflag:s2] =	dma.local @!p0 [hbm:s0], s1  }
0x7e: {  	s0 =	simm.s32 @!p0 $0x1  }
0x7f: {  	_ =	swait.ge @!p0 [sflag:s0], s1  }
0x80: {  	s1 =	ssub.s32 @!p0 $0x0, s1;
	[sflag:s0] =	ssyncset.done @!p0 $0x0  }
0x81: {  	[sflag:s0] =	ssyncadd.s32 @!p0 s1  }
0x82: {  	[bflag:$0x3] =	sbarrier.arrive $0xFFFF  }
0x83: {  	_ =	shalt  }

</sc_bundles>
